<compile_context>
chip_gen: v7x
topology: tpu7x:2x2x1
jax: 0.10.2.dev20260603
libtpu: 0.0.44.dev20260713+nightly
codegen_flags: <defaults>
</compile_context>

<pallas_src>
import functools

import jax
import jax.numpy as jnp
import numpy as np
from jax.experimental import pallas as pl
from jax.experimental.pallas import tpu as pltpu
from jax.experimental.pallas import tpu_sc as plsc

_PARALLEL = pltpu.CompilerParams(dimension_semantics=("parallel",))

_FEAT_DIMS = [119, 10, 11, 12, 9, 5, 8, 2, 2]
_EDGE_DIMS = [22, 6, 2]


def _mixer_math(emb, w1_ref, b1_ref, g1_ref, bb1_ref,
                w2_ref, b2_ref, g2_ref, bb2_ref):
    h = jnp.dot(emb.astype(jnp.bfloat16), w1_ref[...].astype(jnp.bfloat16),
                preferred_element_type=jnp.float32)
    h = h + b1_ref[...]
    mu = jnp.mean(h, axis=-1, keepdims=True)
    var = jnp.mean((h - mu) ** 2, axis=-1, keepdims=True)
    h = (h - mu) * jax.lax.rsqrt(var + 1e-5) * g1_ref[...] + bb1_ref[...]
    h = jax.nn.gelu(h)
    out = jnp.dot(h.astype(jnp.bfloat16), w2_ref[...].astype(jnp.bfloat16),
                  preferred_element_type=jnp.float32)
    out = out + b2_ref[...]
    mu = jnp.mean(out, axis=-1, keepdims=True)
    var = jnp.mean((out - mu) ** 2, axis=-1, keepdims=True)
    return (out - mu) * jax.lax.rsqrt(var + 1e-5) * g2_ref[...] + bb2_ref[...]


def _onehot(cols, n, dtype):
    iota = jax.lax.broadcasted_iota(jnp.int32, (cols.shape[0], n), 1)
    return (iota == cols[:, None]).astype(dtype)


def _atom_body(x_ref, m_ref, c_ref, tab_ref, w1_ref, b1_ref, g1_ref, bb1_ref,
               w2_ref, b2_ref, g2_ref, bb2_ref, o_ref):
    vals = jnp.dot(x_ref[...].astype(jnp.bfloat16), m_ref[...],
                   preferred_element_type=jnp.float32)
    oh = (vals == c_ref[...]).astype(jnp.bfloat16)
    emb = jnp.dot(oh, tab_ref[...].astype(jnp.bfloat16),
                  preferred_element_type=jnp.float32)
    o_ref[...] = _mixer_math(emb, w1_ref, b1_ref, g1_ref, bb1_ref,
                             w2_ref, b2_ref, g2_ref, bb2_ref)


def _edge_combo_body(tabs_ref, w1_ref, b1_ref, g1_ref, bb1_ref,
                     w2_ref, b2_ref, g2_ref, bb2_ref, o_ref,
                     *, offsets, dims, n_pad):
    r = jax.lax.broadcasted_iota(jnp.int32, (n_pad, 1), 0)[:, 0]
    d1, d2 = dims[1], dims[2]
    feats = (r // (d1 * d2), (r // d2) % d1, r % d2)
    vocab_pad = tabs_ref.shape[0]
    oh = jnp.zeros((n_pad, vocab_pad), jnp.bfloat16)
    for f, off in zip(feats, offsets):
        oh = oh + _onehot(f + off, vocab_pad, jnp.bfloat16)
    emb = jnp.dot(oh, tabs_ref[...].astype(jnp.bfloat16),
                  preferred_element_type=jnp.float32)
    o_ref[...] = _mixer_math(emb, w1_ref, b1_ref, g1_ref, bb1_ref,
                             w2_ref, b2_ref, g2_ref, bb2_ref)


def _rep(shape):
    return pl.BlockSpec(shape, lambda i: (0,) * len(shape))


def _row(shape):
    return pl.BlockSpec(shape, lambda i: (i,) + (0,) * (len(shape) - 1))


def _mixer_args(mixer):
    return (mixer['W1'], mixer['b1'][None, :], mixer['ln1_g'][None, :],
            mixer['ln1_b'][None, :], mixer['W2'], mixer['b2'][None, :],
            mixer['ln2_g'][None, :], mixer['ln2_b'][None, :])


def _mixer_specs(d):
    return [_rep((d, 2 * d)), _rep((1, 2 * d)), _rep((1, 2 * d)),
            _rep((1, 2 * d)), _rep((2 * d, d)), _rep((1, d)),
            _rep((1, d)), _rep((1, d))]


def kernel(x, edge_attr, atom_tables, atom_mixer, edge_tables, edge_mixer):
    hn = atom_tables[0].shape[1]
    n_nodes, n_feat = x.shape
    atab = jnp.concatenate(atom_tables, axis=0)
    atab = jnp.pad(atab, ((0, 256 - atab.shape[0]), (0, 0)))
    a_off = np.concatenate([[0], np.cumsum(_FEAT_DIMS[:-1])]).astype(np.int64)
    m_a = np.zeros((n_feat, 256), np.float32)
    c_a = np.full((1, 256), -1.0, np.float32)
    for i, (off, dim) in enumerate(zip(a_off, _FEAT_DIMS)):
        m_a[i, off:off + dim] = 1.0
        c_a[0, off:off + dim] = np.arange(dim, dtype=np.float32)
    bn = 1000

    he = edge_tables[0].shape[1]
    n_edges = edge_attr.shape[0]
    n_pad = 384
    etab = jnp.concatenate(edge_tables, axis=0)
    etab = jnp.pad(etab, ((0, 32 - etab.shape[0]), (0, 0)))
    e_off = tuple(int(v) for v in
                  np.concatenate([[0], np.cumsum(_EDGE_DIMS[:-1])]))
    combo = pl.pallas_call(
        functools.partial(_edge_combo_body, offsets=e_off, dims=_EDGE_DIMS,
                          n_pad=n_pad),
        grid=(1,),
        in_specs=[_rep((32, he))] + _mixer_specs(he),
        out_specs=_rep((n_pad, he)),
        out_shape=jax.ShapeDtypeStruct((n_pad, he), jnp.float32),
    )(etab, *_mixer_args(edge_mixer))

    edge_embedding = _edge_gather_sc(n_edges, he)(combo, edge_attr)

    x_embedding = pl.pallas_call(
        _atom_body,
        grid=(n_nodes // bn,),
        in_specs=[_row((bn, n_feat)), _rep((n_feat, 256)), _rep((1, 256)),
                  _rep((256, hn))] + _mixer_specs(hn),
        out_specs=_row((bn, hn)),
        out_shape=jax.ShapeDtypeStruct((n_nodes, hn), jnp.float32),
        compiler_params=_PARALLEL,
    )(x, jnp.asarray(m_a, jnp.bfloat16), jnp.asarray(c_a), atab,
      *_mixer_args(atom_mixer))
    return (x_embedding, edge_embedding)


def _edge_gather_sc(n_edges, he):
    info = plsc.get_sparse_core_info()
    nw = info.num_cores * info.num_subcores
    bpw = n_edges // nw
    chunk = 40
    n_chunks = bpw // chunk
    d12 = _EDGE_DIMS[1] * _EDGE_DIMS[2]
    d2 = _EDGE_DIMS[2]
    mesh = plsc.VectorSubcoreMesh(core_axis_name="c", subcore_axis_name="s")

    @functools.partial(
        pl.kernel,
        out_type=jax.ShapeDtypeStruct((n_edges, he), jnp.float32),
        mesh=mesh,
        compiler_params=pltpu.CompilerParams(needs_layout_passes=False,
                                             use_tc_tiling_on_sc=False),
        scratch_types=[
            pltpu.VMEM((bpw, 3), jnp.int32),
            pltpu.VMEM((bpw,), jnp.int32),
            pltpu.VMEM((4, chunk, he), jnp.float32),
            pltpu.VMEM_SHARED((384, he), jnp.float32),
            pltpu.SemaphoreType.DMA,
            pltpu.SemaphoreType.DMA,
            pltpu.SemaphoreType.DMA,
            pltpu.SemaphoreType.DMA,
            pltpu.SemaphoreType.DMA,
            pltpu.SemaphoreType.DMA,
            pltpu.SemaphoreType.DMA,
            pltpu.SemaphoreType.DMA,
        ],
    )
    def k(combo_hbm, eattr_hbm, out_hbm, e_v, flat_v, rows_v,
          shared_tab, sg0, sg1, sg2, sg3, ss0, ss1, ss2, ss3):
        wid = jax.lax.axis_index("s") * info.num_cores + \
            jax.lax.axis_index("c")
        base = wid * bpw

        @pl.when(jax.lax.axis_index("s") == 0)
        def _():
            pltpu.sync_copy(combo_hbm, shared_tab)

        pltpu.sync_copy(eattr_hbm.at[pl.ds(base, bpw)], e_v)
        plsc.subcore_barrier()

        col0 = jnp.zeros((16,), jnp.int32)

        def flat_body(i, carry):
            pos = jax.lax.iota(jnp.int32, 16) + i * 16
            e0 = plsc.load_gather(e_v, [pos, col0])
            e1 = plsc.load_gather(e_v, [pos, col0 + 1])
            e2 = plsc.load_gather(e_v, [pos, col0 + 2])
            flat_v[pl.ds(i * 16, 16)] = e0 * d12 + e1 * d2 + e2
            return carry

        jax.lax.fori_loop(0, bpw // 16, flat_body, 0)

        sgs = (sg0, sg1, sg2, sg3)
        sss = (ss0, ss1, ss2, ss3)

        def gather(t, b):
            return pltpu.make_async_copy(
                shared_tab.at[flat_v.at[pl.ds(t * chunk, chunk)]],
                rows_v.at[b], sgs[b])

        def store(t, b):
            return pltpu.make_async_copy(
                rows_v.at[b], out_hbm.at[pl.ds(base + t * chunk, chunk)],
                sss[b])

        for b in range(4):
            gather(b, b).start()

        def body(g, carry):
            t0 = 4 * g
            for b in range(4):
                gather(t0 + b, b).wait()
                store(t0 + b, b).start()
            for b in range(4):
                store(t0 + b, b).wait()

                @pl.when(t0 + b + 4 < n_chunks)
                def _():
                    gather(t0 + b + 4, b).start()
            return carry

        jax.lax.fori_loop(0, n_chunks // 4, body, 0)
        for t in range((n_chunks // 4) * 4, n_chunks):
            b = t % 4
            gather(t, b).wait()
            store(t, b).start()
            store(t, b).wait()

    return k

# --- scband reference (transcript-rebuilt; emitter-appended) ---
"""Pipeline reference for scband-mol-encoder-48790828482574 (READ-ONLY COPY).

The authoritative reference and input builder live on the scoring server;
editing this copy changes nothing except your own understanding.
"""

import jax, jax.numpy as jnp
import numpy as np

FEAT_DIMS = [119, 10, 11, 12, 9, 5, 8, 2, 2]
EDGE_DIMS = [22, 6, 2]
HN = 512
HE = 128
N_NODES = 10000
N_EDGES = 320000


def _layernorm(x, g, b, eps=1e-5):
    mu = jnp.mean(x, axis=-1, keepdims=True)
    var = jnp.var(x, axis=-1, keepdims=True)
    return (x - mu) / jnp.sqrt(var + eps) * g + b


def _mixer(x, p):
    h = x @ p['W1'] + p['b1']
    h = _layernorm(h, p['ln1_g'], p['ln1_b'])
    h = jax.nn.gelu(h)
    h = h @ p['W2'] + p['b2']
    h = _layernorm(h, p['ln2_g'], p['ln2_b'])
    return h


def _make_mixer_params(key, d):
    ks = jax.random.split(key, 4)
    return {
        'W1': jax.random.normal(ks[0], (d, 2 * d), dtype=jnp.float32) * 0.02,
        'b1': jnp.zeros((2 * d,), dtype=jnp.float32),
        'ln1_g': jnp.ones((2 * d,), dtype=jnp.float32),
        'ln1_b': jnp.zeros((2 * d,), dtype=jnp.float32),
        'W2': jax.random.normal(ks[1], (2 * d, d), dtype=jnp.float32) * 0.02,
        'b2': jnp.zeros((d,), dtype=jnp.float32),
        'ln2_g': jnp.ones((d,), dtype=jnp.float32),
        'ln2_b': jnp.zeros((d,), dtype=jnp.float32),
    }


def setup_inputs(seed: int = 0) -> dict:
    key = jax.random.key(seed)
    k_x, k_e, k_at, k_et, k_am, k_em = jax.random.split(key, 6)
    x = jax.random.randint(k_x, (N_NODES, 9), 0, 2, dtype=jnp.int64 if jax.config.jax_enable_x64 else jnp.int32)
    edge_attr = jax.random.randint(k_e, (N_EDGES, 3), 0, 2, dtype=jnp.int64 if jax.config.jax_enable_x64 else jnp.int32)
    atom_tables = tuple(
        jax.random.normal(jax.random.fold_in(k_at, i), (FEAT_DIMS[i], HN), dtype=jnp.float32)
        for i in range(len(FEAT_DIMS))
    )
    edge_tables = tuple(
        jax.random.normal(jax.random.fold_in(k_et, i), (EDGE_DIMS[i], HE), dtype=jnp.float32)
        for i in range(len(EDGE_DIMS))
    )
    atom_mixer = _make_mixer_params(k_am, HN)
    edge_mixer = _make_mixer_params(k_em, HE)
    return {
        'x': x,
        'edge_attr': edge_attr,
        'atom_tables': atom_tables,
        'atom_mixer': atom_mixer,
        'edge_tables': edge_tables,
        'edge_mixer': edge_mixer,
    }


def reference(x, edge_attr, atom_tables, atom_mixer, edge_tables, edge_mixer):
    x_embedding = jnp.zeros((x.shape[0], HN), dtype=jnp.float32)
    for i in range(x.shape[1]):
        x_embedding = x_embedding + jnp.take(atom_tables[i], x[:, i], axis=0)
    x_embedding = _mixer(x_embedding, atom_mixer)
    edge_embedding = jnp.zeros((edge_attr.shape[0], HE), dtype=jnp.float32)
    for i in range(edge_attr.shape[1]):
        edge_embedding = edge_embedding + jnp.take(edge_tables[i], edge_attr[:, i], axis=0)
    edge_embedding = _mixer(edge_embedding, edge_mixer)
    return (x_embedding, edge_embedding)

if __name__ == "__main__":
    import jax
    _d = setup_inputs()
    print(jax.jit(kernel)(*tuple(_d.values())))

</pallas_src>

<mosaic_0001>
#map = affine_map<(d0, d1) -> (0, 0)>
module attributes {stable_mosaic.version = 14 : i64} {
  func.func @k(%arg0: i32, %arg1: i32, %arg2: memref<384x128xf32, #tpu.memory_space<hbm>>, %arg3: memref<320000x3xi32, #tpu.memory_space<hbm>>, %arg4: memref<320000x128xf32, #tpu.memory_space<hbm>>, %arg5: memref<10000x3xi32, #tpu.memory_space<vmem>>, %arg6: memref<10000xi32, #tpu.memory_space<vmem>>, %arg7: memref<4x40x128xf32, #tpu.memory_space<vmem>>, %arg8: memref<384x128xf32, #tpu.memory_space<vmem_shared>>, %arg9: memref<!tpu.dma_semaphore, #tpu.memory_space<semaphore_mem>>, %arg10: memref<!tpu.dma_semaphore, #tpu.memory_space<semaphore_mem>>, %arg11: memref<!tpu.dma_semaphore, #tpu.memory_space<semaphore_mem>>, %arg12: memref<!tpu.dma_semaphore, #tpu.memory_space<semaphore_mem>>, %arg13: memref<!tpu.dma_semaphore, #tpu.memory_space<semaphore_mem>>, %arg14: memref<!tpu.dma_semaphore, #tpu.memory_space<semaphore_mem>>, %arg15: memref<!tpu.dma_semaphore, #tpu.memory_space<semaphore_mem>>, %arg16: memref<!tpu.dma_semaphore, #tpu.memory_space<semaphore_mem>>) attributes {dimension_semantics = [#tpu.dimension_semantics<core_parallel>, #tpu.dimension_semantics<subcore_parallel>], iteration_bounds = array<i64: 2, 16>, scalar_prefetch = 0 : i64, scratch_operands = 12 : i64, tpu.core_type = #tpu.core_type<sc_vector_subcore>, window_params = [{transform_indices = #map}, {transform_indices = #map}, {transform_indices = #map}]} {
    %mul3A = arith.constant 2 : i32
    %mul3A_0 = arith.muli %arg1, %mul3A : i32
    %add3A = arith.addi %mul3A_0, %arg0 : i32
    %mul3A_1 = arith.constant 10000 : i32
    %mul3A_2 = arith.muli %add3A, %mul3A_1 : i32
    %eq3A = arith.constant 0 : i32
    %eq3A_3 = arith.cmpi eq, %arg1, %eq3A : i32
    %convert_element_type3A = arith.extui %eq3A_3 : i1 to i32
    %cond3A = arith.constant 0 : i32
    %cond3A_4 = arith.cmpi ne, %convert_element_type3A, %cond3A : i32
    scf.if %cond3A_4 {
      "tpu.region"() ({
        %run_scoped3A = tpu.sem_alloc : memref<!tpu.dma_semaphore, #tpu.memory_space<semaphore_mem>>
        tpu.enqueue_dma source(%arg2 : memref<384x128xf32, #tpu.memory_space<hbm>>) target(%arg8 : memref<384x128xf32, #tpu.memory_space<vmem_shared>>) target_semaphore(%run_scoped3A : memref<!tpu.dma_semaphore, #tpu.memory_space<semaphore_mem>>)
        tpu.wait_dma2 semaphore(%run_scoped3A : memref<!tpu.dma_semaphore, #tpu.memory_space<semaphore_mem>>) src(%arg2 : memref<384x128xf32, #tpu.memory_space<hbm>>) dst(%arg8 : memref<384x128xf32, #tpu.memory_space<vmem_shared>>)
        tpu.yield
      }) : () -> ()
    } else {
    }
    "tpu.region"() ({
      %run_scoped3A = tpu.sem_alloc : memref<!tpu.dma_semaphore, #tpu.memory_space<semaphore_mem>>
      %dma_start3A_135 = arith.constant 0 : i32
      %dma_start3A_136 = tpu.memref_slice %arg3[%mul3A_2, %dma_start3A_135] : memref<320000x3xi32, #tpu.memory_space<hbm>> -> memref<10000x3xi32, #tpu.memory_space<hbm>>
      %dma_start3A_137 = arith.constant 0 : i32
      %dma_start3A_138 = tpu.memref_slice %arg3[%mul3A_2, %dma_start3A_137] : memref<320000x3xi32, #tpu.memory_space<hbm>> -> memref<10000x3xi32, #tpu.memory_space<hbm>>
      tpu.enqueue_dma source(%dma_start3A_138 : memref<10000x3xi32, #tpu.memory_space<hbm>>) target(%arg5 : memref<10000x3xi32, #tpu.memory_space<vmem>>) target_semaphore(%run_scoped3A : memref<!tpu.dma_semaphore, #tpu.memory_space<semaphore_mem>>)
      %dma_wait3A_139 = arith.constant 0 : i32
      %dma_wait3A_140 = tpu.memref_slice %arg3[%mul3A_2, %dma_wait3A_139] : memref<320000x3xi32, #tpu.memory_space<hbm>> -> memref<10000x3xi32, #tpu.memory_space<hbm>>
      %dma_wait3A_141 = arith.constant 0 : i32
      %dma_wait3A_142 = tpu.memref_slice %arg3[%mul3A_2, %dma_wait3A_141] : memref<320000x3xi32, #tpu.memory_space<hbm>> -> memref<10000x3xi32, #tpu.memory_space<hbm>>
      tpu.wait_dma2 semaphore(%run_scoped3A : memref<!tpu.dma_semaphore, #tpu.memory_space<semaphore_mem>>) src(%dma_wait3A_142 : memref<10000x3xi32, #tpu.memory_space<hbm>>) dst(%arg5 : memref<10000x3xi32, #tpu.memory_space<vmem>>)
      tpu.yield
    }) : () -> ()
    %barrier3A = arith.constant 0 : index
    tpu.barrier barrier_id(%barrier3A)
    %broadcast_in_dim3A = arith.constant 0 : i32
    %broadcast_in_dim3A_5 = vector.broadcast %broadcast_in_dim3A : i32 to vector<16xi32>
    %scan3A = arith.constant 0 : i32
    %scan3A_6 = arith.constant 0 : i32
    %scan3A_7 = arith.constant 625 : i32
    %scan3A_8 = arith.addi %scan3A_6, %scan3A_7 : i32
    %scan3A_9 = arith.constant 1 : i32
    scf.for %scan3A_135 = %scan3A_6 to %scan3A_8 step %scan3A_9  : i32 {
      %iota3A = tpu.iota {dimensions = array<i32: 0>} : vector<16xi32>
      %mul3A_136 = arith.constant 16 : i32
      %mul3A_137 = arith.muli %scan3A_135, %mul3A_136 : i32
      %add3A_138 = vector.broadcast %mul3A_137 : i32 to vector<16xi32>
      %add3A_139 = arith.addi %iota3A, %add3A_138 : vector<16xi32>
      %gather3A = tpu.vector_load_idx %arg5[%add3A_139, %broadcast_in_dim3A_5] : memref<10000x3xi32, #tpu.memory_space<vmem>>[vector<16xi32>, vector<16xi32>], vector<16xi32>,
      %add3A_140 = arith.constant 1 : i32
      %add3A_141 = vector.broadcast %add3A_140 : i32 to vector<16xi32>
      %add3A_142 = arith.addi %broadcast_in_dim3A_5, %add3A_141 : vector<16xi32>
      %gather3A_143 = tpu.vector_load_idx %arg5[%add3A_139, %add3A_142] : memref<10000x3xi32, #tpu.memory_space<vmem>>[vector<16xi32>, vector<16xi32>], vector<16xi32>,
      %add3A_144 = arith.constant 2 : i32
      %add3A_145 = vector.broadcast %add3A_144 : i32 to vector<16xi32>
      %add3A_146 = arith.addi %broadcast_in_dim3A_5, %add3A_145 : vector<16xi32>
      %gather3A_147 = tpu.vector_load_idx %arg5[%add3A_139, %add3A_146] : memref<10000x3xi32, #tpu.memory_space<vmem>>[vector<16xi32>, vector<16xi32>], vector<16xi32>,
      %mul3A_148 = arith.constant 12 : i32
      %mul3A_149 = vector.broadcast %mul3A_148 : i32 to vector<16xi32>
      %mul3A_150 = arith.muli %gather3A, %mul3A_149 : vector<16xi32>
      %mul3A_151 = arith.constant 2 : i32
      %mul3A_152 = vector.broadcast %mul3A_151 : i32 to vector<16xi32>
      %mul3A_153 = arith.muli %gather3A_143, %mul3A_152 : vector<16xi32>
      %add3A_154 = arith.addi %mul3A_150, %mul3A_153 : vector<16xi32>
      %add3A_155 = arith.addi %add3A_154, %gather3A_147 : vector<16xi32>
      %mul3A_156 = arith.constant 16 : i32
      %mul3A_157 = arith.muli %scan3A_135, %mul3A_156 : i32
      %swap3A = arith.index_cast %mul3A_157 : i32 to index
      %swap3A_158 = tpu.vector_load %arg6[%swap3A] {strides = array<i32>} : memref<10000xi32, #tpu.memory_space<vmem>>, vector<16xi32>,
      tpu.vector_store %arg6[%swap3A], %add3A_155 {strides = array<i32>} : memref<10000xi32, #tpu.memory_space<vmem>>, vector<16xi32>,
    }
    %scan3A_10 = arith.constant 625 : i32
    %dma_start3A = arith.constant 0 : i32
    %dma_start3A_11 = arith.constant 0 : i32
    %dma_start3A_12 = arith.constant 0 : i32
    %dma_start3A_13 = tpu.memref_slice %arg7[%dma_start3A, %dma_start3A_11, %dma_start3A_12] : memref<4x40x128xf32, #tpu.memory_space<vmem>> -> memref<1x40x128xf32, #tpu.memory_space<vmem>>
    %dma_start3A_14 = tpu.memref_squeeze %dma_start3A_13 : memref<1x40x128xf32, #tpu.memory_space<vmem>> -> memref<40x128xf32, #tpu.memory_space<vmem>>
    %dma_start3A_15 = arith.constant 0 : i32
    %dma_start3A_16 = tpu.memref_slice %arg6[%dma_start3A_15] : memref<10000xi32, #tpu.memory_space<vmem>> -> memref<40xi32, #tpu.memory_space<vmem>>
    %dma_start3A_17 = arith.constant 0 : i32
    %dma_start3A_18 = arith.constant 0 : i32
    %dma_start3A_19 = tpu.memref_slice %arg8[%dma_start3A_17, %dma_start3A_18] : memref<384x128xf32, #tpu.memory_space<vmem_shared>> -> memref<384x128xf32, #tpu.memory_space<vmem_shared>>
    tpu.enqueue_indirect_dma source(%dma_start3A_19 : memref<384x128xf32, #tpu.memory_space<vmem_shared>>) target(%dma_start3A_14 : memref<40x128xf32, #tpu.memory_space<vmem>>) offsets(%dma_start3A_16 : memref<40xi32, #tpu.memory_space<vmem>>) semaphore(%arg9 : memref<!tpu.dma_semaphore, #tpu.memory_space<semaphore_mem>>)
    %dma_start3A_20 = arith.constant 1 : i32
    %dma_start3A_21 = arith.constant 0 : i32
    %dma_start3A_22 = arith.constant 0 : i32
    %dma_start3A_23 = tpu.memref_slice %arg7[%dma_start3A_20, %dma_start3A_21, %dma_start3A_22] : memref<4x40x128xf32, #tpu.memory_space<vmem>> -> memref<1x40x128xf32, #tpu.memory_space<vmem>>
    %dma_start3A_24 = tpu.memref_squeeze %dma_start3A_23 : memref<1x40x128xf32, #tpu.memory_space<vmem>> -> memref<40x128xf32, #tpu.memory_space<vmem>>
    %dma_start3A_25 = arith.constant 40 : i32
    %dma_start3A_26 = tpu.memref_slice %arg6[%dma_start3A_25] : memref<10000xi32, #tpu.memory_space<vmem>> -> memref<40xi32, #tpu.memory_space<vmem>>
    %dma_start3A_27 = arith.constant 0 : i32
    %dma_start3A_28 = arith.constant 0 : i32
    %dma_start3A_29 = tpu.memref_slice %arg8[%dma_start3A_27, %dma_start3A_28] : memref<384x128xf32, #tpu.memory_space<vmem_shared>> -> memref<384x128xf32, #tpu.memory_space<vmem_shared>>
    tpu.enqueue_indirect_dma source(%dma_start3A_29 : memref<384x128xf32, #tpu.memory_space<vmem_shared>>) target(%dma_start3A_24 : memref<40x128xf32, #tpu.memory_space<vmem>>) offsets(%dma_start3A_26 : memref<40xi32, #tpu.memory_space<vmem>>) semaphore(%arg10 : memref<!tpu.dma_semaphore, #tpu.memory_space<semaphore_mem>>)
    %dma_start3A_30 = arith.constant 2 : i32
    %dma_start3A_31 = arith.constant 0 : i32
    %dma_start3A_32 = arith.constant 0 : i32
    %dma_start3A_33 = tpu.memref_slice %arg7[%dma_start3A_30, %dma_start3A_31, %dma_start3A_32] : memref<4x40x128xf32, #tpu.memory_space<vmem>> -> memref<1x40x128xf32, #tpu.memory_space<vmem>>
    %dma_start3A_34 = tpu.memref_squeeze %dma_start3A_33 : memref<1x40x128xf32, #tpu.memory_space<vmem>> -> memref<40x128xf32, #tpu.memory_space<vmem>>
    %dma_start3A_35 = arith.constant 80 : i32
    %dma_start3A_36 = tpu.memref_slice %arg6[%dma_start3A_35] : memref<10000xi32, #tpu.memory_space<vmem>> -> memref<40xi32, #tpu.memory_space<vmem>>
    %dma_start3A_37 = arith.constant 0 : i32
    %dma_start3A_38 = arith.constant 0 : i32
    %dma_start3A_39 = tpu.memref_slice %arg8[%dma_start3A_37, %dma_start3A_38] : memref<384x128xf32, #tpu.memory_space<vmem_shared>> -> memref<384x128xf32, #tpu.memory_space<vmem_shared>>
    tpu.enqueue_indirect_dma source(%dma_start3A_39 : memref<384x128xf32, #tpu.memory_space<vmem_shared>>) target(%dma_start3A_34 : memref<40x128xf32, #tpu.memory_space<vmem>>) offsets(%dma_start3A_36 : memref<40xi32, #tpu.memory_space<vmem>>) semaphore(%arg11 : memref<!tpu.dma_semaphore, #tpu.memory_space<semaphore_mem>>)
    %dma_start3A_40 = arith.constant 3 : i32
    %dma_start3A_41 = arith.constant 0 : i32
    %dma_start3A_42 = arith.constant 0 : i32
    %dma_start3A_43 = tpu.memref_slice %arg7[%dma_start3A_40, %dma_start3A_41, %dma_start3A_42] : memref<4x40x128xf32, #tpu.memory_space<vmem>> -> memref<1x40x128xf32, #tpu.memory_space<vmem>>
    %dma_start3A_44 = tpu.memref_squeeze %dma_start3A_43 : memref<1x40x128xf32, #tpu.memory_space<vmem>> -> memref<40x128xf32, #tpu.memory_space<vmem>>
    %dma_start3A_45 = arith.constant 120 : i32
    %dma_start3A_46 = tpu.memref_slice %arg6[%dma_start3A_45] : memref<10000xi32, #tpu.memory_space<vmem>> -> memref<40xi32, #tpu.memory_space<vmem>>
    %dma_start3A_47 = arith.constant 0 : i32
    %dma_start3A_48 = arith.constant 0 : i32
    %dma_start3A_49 = tpu.memref_slice %arg8[%dma_start3A_47, %dma_start3A_48] : memref<384x128xf32, #tpu.memory_space<vmem_shared>> -> memref<384x128xf32, #tpu.memory_space<vmem_shared>>
    tpu.enqueue_indirect_dma source(%dma_start3A_49 : memref<384x128xf32, #tpu.memory_space<vmem_shared>>) target(%dma_start3A_44 : memref<40x128xf32, #tpu.memory_space<vmem>>) offsets(%dma_start3A_46 : memref<40xi32, #tpu.memory_space<vmem>>) semaphore(%arg12 : memref<!tpu.dma_semaphore, #tpu.memory_space<semaphore_mem>>)
    %scan3A_50 = arith.constant 0 : i32
    %scan3A_51 = arith.constant 0 : i32
    %scan3A_52 = arith.constant 62 : i32
    %scan3A_53 = arith.addi %scan3A_51, %scan3A_52 : i32
    %scan3A_54 = arith.constant 1 : i32
    scf.for %scan3A_135 = %scan3A_51 to %scan3A_53 step %scan3A_54  : i32 {
      %mul3A_136 = arith.constant 4 : i32
      %mul3A_137 = arith.muli %mul3A_136, %scan3A_135 : i32
      %add3A_138 = arith.constant 0 : i32
      %add3A_139 = arith.addi %mul3A_137, %add3A_138 : i32
      %mul3A_140 = arith.constant 40 : i32
      %mul3A_141 = arith.muli %add3A_139, %mul3A_140 : i32
      %dma_wait3A_142 = arith.constant 0 : i32
      %dma_wait3A_143 = arith.constant 0 : i32
      %dma_wait3A_144 = arith.constant 0 : i32
      %dma_wait3A_145 = tpu.memref_slice %arg7[%dma_wait3A_142, %dma_wait3A_143, %dma_wait3A_144] : memref<4x40x128xf32, #tpu.memory_space<vmem>> -> memref<1x40x128xf32, #tpu.memory_space<vmem>>
      %dma_wait3A_146 = tpu.memref_squeeze %dma_wait3A_145 : memref<1x40x128xf32, #tpu.memory_space<vmem>> -> memref<40x128xf32, #tpu.memory_space<vmem>>
      %dma_wait3A_147 = tpu.memref_slice %arg6[%mul3A_141] : memref<10000xi32, #tpu.memory_space<vmem>> -> memref<40xi32, #tpu.memory_space<vmem>>
      %dma_wait3A_148 = arith.constant 0 : i32
      %dma_wait3A_149 = arith.constant 0 : i32
      %dma_wait3A_150 = tpu.memref_slice %arg8[%dma_wait3A_148, %dma_wait3A_149] : memref<384x128xf32, #tpu.memory_space<vmem_shared>> -> memref<384x128xf32, #tpu.memory_space<vmem_shared>>
      tpu.wait_indirect_dma semaphore(%arg9 : memref<!tpu.dma_semaphore, #tpu.memory_space<semaphore_mem>>) src(%dma_wait3A_150 : memref<384x128xf32, #tpu.memory_space<vmem_shared>>) dst(%dma_wait3A_146 : memref<40x128xf32, #tpu.memory_space<vmem>>)
      %add3A_151 = arith.constant 0 : i32
      %add3A_152 = arith.addi %mul3A_137, %add3A_151 : i32
      %mul3A_153 = arith.constant 40 : i32
      %mul3A_154 = arith.muli %add3A_152, %mul3A_153 : i32
      %add3A_155 = arith.addi %mul3A_2, %mul3A_154 : i32
      %dma_start3A_156 = arith.constant 0 : i32
      %dma_start3A_157 = arith.constant 0 : i32
      %dma_start3A_158 = arith.constant 0 : i32
      %dma_start3A_159 = tpu.memref_slice %arg7[%dma_start3A_156, %dma_start3A_157, %dma_start3A_158] : memref<4x40x128xf32, #tpu.memory_space<vmem>> -> memref<1x40x128xf32, #tpu.memory_space<vmem>>
      %dma_start3A_160 = tpu.memref_squeeze %dma_start3A_159 : memref<1x40x128xf32, #tpu.memory_space<vmem>> -> memref<40x128xf32, #tpu.memory_space<vmem>>
      %dma_start3A_161 = arith.constant 0 : i32
      %dma_start3A_162 = tpu.memref_slice %arg4[%add3A_155, %dma_start3A_161] : memref<320000x128xf32, #tpu.memory_space<hbm>> -> memref<40x128xf32, #tpu.memory_space<hbm>>
      %dma_start3A_163 = arith.constant 0 : i32
      %dma_start3A_164 = tpu.memref_slice %arg4[%add3A_155, %dma_start3A_163] : memref<320000x128xf32, #tpu.memory_space<hbm>> -> memref<40x128xf32, #tpu.memory_space<hbm>>
      %dma_start3A_165 = arith.constant 0 : i32
      %dma_start3A_166 = arith.constant 0 : i32
      %dma_start3A_167 = tpu.memref_slice %arg7[%dma_start3A_156, %dma_start3A_165, %dma_start3A_166] : memref<4x40x128xf32, #tpu.memory_space<vmem>> -> memref<1x40x128xf32, #tpu.memory_space<vmem>>
      %dma_start3A_168 = tpu.memref_squeeze %dma_start3A_167 : memref<1x40x128xf32, #tpu.memory_space<vmem>> -> memref<40x128xf32, #tpu.memory_space<vmem>>
      tpu.enqueue_dma source(%dma_start3A_168 : memref<40x128xf32, #tpu.memory_space<vmem>>) target(%dma_start3A_164 : memref<40x128xf32, #tpu.memory_space<hbm>>) target_semaphore(%arg13 : memref<!tpu.dma_semaphore, #tpu.memory_space<semaphore_mem>>)
      %add3A_169 = arith.constant 1 : i32
      %add3A_170 = arith.addi %mul3A_137, %add3A_169 : i32
      %mul3A_171 = arith.constant 40 : i32
      %mul3A_172 = arith.muli %add3A_170, %mul3A_171 : i32
      %dma_wait3A_173 = arith.constant 1 : i32
      %dma_wait3A_174 = arith.constant 0 : i32
      %dma_wait3A_175 = arith.constant 0 : i32
      %dma_wait3A_176 = tpu.memref_slice %arg7[%dma_wait3A_173, %dma_wait3A_174, %dma_wait3A_175] : memref<4x40x128xf32, #tpu.memory_space<vmem>> -> memref<1x40x128xf32, #tpu.memory_space<vmem>>
      %dma_wait3A_177 = tpu.memref_squeeze %dma_wait3A_176 : memref<1x40x128xf32, #tpu.memory_space<vmem>> -> memref<40x128xf32, #tpu.memory_space<vmem>>
      %dma_wait3A_178 = tpu.memref_slice %arg6[%mul3A_172] : memref<10000xi32, #tpu.memory_space<vmem>> -> memref<40xi32, #tpu.memory_space<vmem>>
      %dma_wait3A_179 = arith.constant 0 : i32
      %dma_wait3A_180 = arith.constant 0 : i32
      %dma_wait3A_181 = tpu.memref_slice %arg8[%dma_wait3A_179, %dma_wait3A_180] : memref<384x128xf32, #tpu.memory_space<vmem_shared>> -> memref<384x128xf32, #tpu.memory_space<vmem_shared>>
      tpu.wait_indirect_dma semaphore(%arg10 : memref<!tpu.dma_semaphore, #tpu.memory_space<semaphore_mem>>) src(%dma_wait3A_181 : memref<384x128xf32, #tpu.memory_space<vmem_shared>>) dst(%dma_wait3A_177 : memref<40x128xf32, #tpu.memory_space<vmem>>)
      %add3A_182 = arith.constant 1 : i32
      %add3A_183 = arith.addi %mul3A_137, %add3A_182 : i32
      %mul3A_184 = arith.constant 40 : i32
      %mul3A_185 = arith.muli %add3A_183, %mul3A_184 : i32
      %add3A_186 = arith.addi %mul3A_2, %mul3A_185 : i32
      %dma_start3A_187 = arith.constant 1 : i32
      %dma_start3A_188 = arith.constant 0 : i32
      %dma_start3A_189 = arith.constant 0 : i32
      %dma_start3A_190 = tpu.memref_slice %arg7[%dma_start3A_187, %dma_start3A_188, %dma_start3A_189] : memref<4x40x128xf32, #tpu.memory_space<vmem>> -> memref<1x40x128xf32, #tpu.memory_space<vmem>>
      %dma_start3A_191 = tpu.memref_squeeze %dma_start3A_190 : memref<1x40x128xf32, #tpu.memory_space<vmem>> -> memref<40x128xf32, #tpu.memory_space<vmem>>
      %dma_start3A_192 = arith.constant 0 : i32
      %dma_start3A_193 = tpu.memref_slice %arg4[%add3A_186, %dma_start3A_192] : memref<320000x128xf32, #tpu.memory_space<hbm>> -> memref<40x128xf32, #tpu.memory_space<hbm>>
      %dma_start3A_194 = arith.constant 0 : i32
      %dma_start3A_195 = tpu.memref_slice %arg4[%add3A_186, %dma_start3A_194] : memref<320000x128xf32, #tpu.memory_space<hbm>> -> memref<40x128xf32, #tpu.memory_space<hbm>>
      %dma_start3A_196 = arith.constant 0 : i32
      %dma_start3A_197 = arith.constant 0 : i32
      %dma_start3A_198 = tpu.memref_slice %arg7[%dma_start3A_187, %dma_start3A_196, %dma_start3A_197] : memref<4x40x128xf32, #tpu.memory_space<vmem>> -> memref<1x40x128xf32, #tpu.memory_space<vmem>>
      %dma_start3A_199 = tpu.memref_squeeze %dma_start3A_198 : memref<1x40x128xf32, #tpu.memory_space<vmem>> -> memref<40x128xf32, #tpu.memory_space<vmem>>
      tpu.enqueue_dma source(%dma_start3A_199 : memref<40x128xf32, #tpu.memory_space<vmem>>) target(%dma_start3A_195 : memref<40x128xf32, #tpu.memory_space<hbm>>) target_semaphore(%arg14 : memref<!tpu.dma_semaphore, #tpu.memory_space<semaphore_mem>>)
      %add3A_200 = arith.constant 2 : i32
      %add3A_201 = arith.addi %mul3A_137, %add3A_200 : i32
      %mul3A_202 = arith.constant 40 : i32
      %mul3A_203 = arith.muli %add3A_201, %mul3A_202 : i32
      %dma_wait3A_204 = arith.constant 2 : i32
      %dma_wait3A_205 = arith.constant 0 : i32
      %dma_wait3A_206 = arith.constant 0 : i32
      %dma_wait3A_207 = tpu.memref_slice %arg7[%dma_wait3A_204, %dma_wait3A_205, %dma_wait3A_206] : memref<4x40x128xf32, #tpu.memory_space<vmem>> -> memref<1x40x128xf32, #tpu.memory_space<vmem>>
      %dma_wait3A_208 = tpu.memref_squeeze %dma_wait3A_207 : memref<1x40x128xf32, #tpu.memory_space<vmem>> -> memref<40x128xf32, #tpu.memory_space<vmem>>
      %dma_wait3A_209 = tpu.memref_slice %arg6[%mul3A_203] : memref<10000xi32, #tpu.memory_space<vmem>> -> memref<40xi32, #tpu.memory_space<vmem>>
      %dma_wait3A_210 = arith.constant 0 : i32
      %dma_wait3A_211 = arith.constant 0 : i32
      %dma_wait3A_212 = tpu.memref_slice %arg8[%dma_wait3A_210, %dma_wait3A_211] : memref<384x128xf32, #tpu.memory_space<vmem_shared>> -> memref<384x128xf32, #tpu.memory_space<vmem_shared>>
      tpu.wait_indirect_dma semaphore(%arg11 : memref<!tpu.dma_semaphore, #tpu.memory_space<semaphore_mem>>) src(%dma_wait3A_212 : memref<384x128xf32, #tpu.memory_space<vmem_shared>>) dst(%dma_wait3A_208 : memref<40x128xf32, #tpu.memory_space<vmem>>)
      %add3A_213 = arith.constant 2 : i32
      %add3A_214 = arith.addi %mul3A_137, %add3A_213 : i32
      %mul3A_215 = arith.constant 40 : i32
      %mul3A_216 = arith.muli %add3A_214, %mul3A_215 : i32
      %add3A_217 = arith.addi %mul3A_2, %mul3A_216 : i32
      %dma_start3A_218 = arith.constant 2 : i32
      %dma_start3A_219 = arith.constant 0 : i32
      %dma_start3A_220 = arith.constant 0 : i32
      %dma_start3A_221 = tpu.memref_slice %arg7[%dma_start3A_218, %dma_start3A_219, %dma_start3A_220] : memref<4x40x128xf32, #tpu.memory_space<vmem>> -> memref<1x40x128xf32, #tpu.memory_space<vmem>>
      %dma_start3A_222 = tpu.memref_squeeze %dma_start3A_221 : memref<1x40x128xf32, #tpu.memory_space<vmem>> -> memref<40x128xf32, #tpu.memory_space<vmem>>
      %dma_start3A_223 = arith.constant 0 : i32
      %dma_start3A_224 = tpu.memref_slice %arg4[%add3A_217, %dma_start3A_223] : memref<320000x128xf32, #tpu.memory_space<hbm>> -> memref<40x128xf32, #tpu.memory_space<hbm>>
      %dma_start3A_225 = arith.constant 0 : i32
      %dma_start3A_226 = tpu.memref_slice %arg4[%add3A_217, %dma_start3A_225] : memref<320000x128xf32, #tpu.memory_space<hbm>> -> memref<40x128xf32, #tpu.memory_space<hbm>>
      %dma_start3A_227 = arith.constant 0 : i32
      %dma_start3A_228 = arith.constant 0 : i32
      %dma_start3A_229 = tpu.memref_slice %arg7[%dma_start3A_218, %dma_start3A_227, %dma_start3A_228] : memref<4x40x128xf32, #tpu.memory_space<vmem>> -> memref<1x40x128xf32, #tpu.memory_space<vmem>>
      %dma_start3A_230 = tpu.memref_squeeze %dma_start3A_229 : memref<1x40x128xf32, #tpu.memory_space<vmem>> -> memref<40x128xf32, #tpu.memory_space<vmem>>
      tpu.enqueue_dma source(%dma_start3A_230 : memref<40x128xf32, #tpu.memory_space<vmem>>) target(%dma_start3A_226 : memref<40x128xf32, #tpu.memory_space<hbm>>) target_semaphore(%arg15 : memref<!tpu.dma_semaphore, #tpu.memory_space<semaphore_mem>>)
      %add3A_231 = arith.constant 3 : i32
      %add3A_232 = arith.addi %mul3A_137, %add3A_231 : i32
      %mul3A_233 = arith.constant 40 : i32
      %mul3A_234 = arith.muli %add3A_232, %mul3A_233 : i32
      %dma_wait3A_235 = arith.constant 3 : i32
      %dma_wait3A_236 = arith.constant 0 : i32
      %dma_wait3A_237 = arith.constant 0 : i32
      %dma_wait3A_238 = tpu.memref_slice %arg7[%dma_wait3A_235, %dma_wait3A_236, %dma_wait3A_237] : memref<4x40x128xf32, #tpu.memory_space<vmem>> -> memref<1x40x128xf32, #tpu.memory_space<vmem>>
      %dma_wait3A_239 = tpu.memref_squeeze %dma_wait3A_238 : memref<1x40x128xf32, #tpu.memory_space<vmem>> -> memref<40x128xf32, #tpu.memory_space<vmem>>
      %dma_wait3A_240 = tpu.memref_slice %arg6[%mul3A_234] : memref<10000xi32, #tpu.memory_space<vmem>> -> memref<40xi32, #tpu.memory_space<vmem>>
      %dma_wait3A_241 = arith.constant 0 : i32
      %dma_wait3A_242 = arith.constant 0 : i32
      %dma_wait3A_243 = tpu.memref_slice %arg8[%dma_wait3A_241, %dma_wait3A_242] : memref<384x128xf32, #tpu.memory_space<vmem_shared>> -> memref<384x128xf32, #tpu.memory_space<vmem_shared>>
      tpu.wait_indirect_dma semaphore(%arg12 : memref<!tpu.dma_semaphore, #tpu.memory_space<semaphore_mem>>) src(%dma_wait3A_243 : memref<384x128xf32, #tpu.memory_space<vmem_shared>>) dst(%dma_wait3A_239 : memref<40x128xf32, #tpu.memory_space<vmem>>)
      %add3A_244 = arith.constant 3 : i32
      %add3A_245 = arith.addi %mul3A_137, %add3A_244 : i32
      %mul3A_246 = arith.constant 40 : i32
      %mul3A_247 = arith.muli %add3A_245, %mul3A_246 : i32
      %add3A_248 = arith.addi %mul3A_2, %mul3A_247 : i32
      %dma_start3A_249 = arith.constant 3 : i32
      %dma_start3A_250 = arith.constant 0 : i32
      %dma_start3A_251 = arith.constant 0 : i32
      %dma_start3A_252 = tpu.memref_slice %arg7[%dma_start3A_249, %dma_start3A_250, %dma_start3A_251] : memref<4x40x128xf32, #tpu.memory_space<vmem>> -> memref<1x40x128xf32, #tpu.memory_space<vmem>>
      %dma_start3A_253 = tpu.memref_squeeze %dma_start3A_252 : memref<1x40x128xf32, #tpu.memory_space<vmem>> -> memref<40x128xf32, #tpu.memory_space<vmem>>
      %dma_start3A_254 = arith.constant 0 : i32
      %dma_start3A_255 = tpu.memref_slice %arg4[%add3A_248, %dma_start3A_254] : memref<320000x128xf32, #tpu.memory_space<hbm>> -> memref<40x128xf32, #tpu.memory_space<hbm>>
      %dma_start3A_256 = arith.constant 0 : i32
      %dma_start3A_257 = tpu.memref_slice %arg4[%add3A_248, %dma_start3A_256] : memref<320000x128xf32, #tpu.memory_space<hbm>> -> memref<40x128xf32, #tpu.memory_space<hbm>>
      %dma_start3A_258 = arith.constant 0 : i32
      %dma_start3A_259 = arith.constant 0 : i32
      %dma_start3A_260 = tpu.memref_slice %arg7[%dma_start3A_249, %dma_start3A_258, %dma_start3A_259] : memref<4x40x128xf32, #tpu.memory_space<vmem>> -> memref<1x40x128xf32, #tpu.memory_space<vmem>>
      %dma_start3A_261 = tpu.memref_squeeze %dma_start3A_260 : memref<1x40x128xf32, #tpu.memory_space<vmem>> -> memref<40x128xf32, #tpu.memory_space<vmem>>
      tpu.enqueue_dma source(%dma_start3A_261 : memref<40x128xf32, #tpu.memory_space<vmem>>) target(%dma_start3A_257 : memref<40x128xf32, #tpu.memory_space<hbm>>) target_semaphore(%arg16 : memref<!tpu.dma_semaphore, #tpu.memory_space<semaphore_mem>>)
      %add3A_262 = arith.constant 0 : i32
      %add3A_263 = arith.addi %mul3A_137, %add3A_262 : i32
      %mul3A_264 = arith.constant 40 : i32
      %mul3A_265 = arith.muli %add3A_263, %mul3A_264 : i32
      %add3A_266 = arith.addi %mul3A_2, %mul3A_265 : i32
      %dma_wait3A_267 = arith.constant 0 : i32
      %dma_wait3A_268 = arith.constant 0 : i32
      %dma_wait3A_269 = arith.constant 0 : i32
      %dma_wait3A_270 = tpu.memref_slice %arg7[%dma_wait3A_267, %dma_wait3A_268, %dma_wait3A_269] : memref<4x40x128xf32, #tpu.memory_space<vmem>> -> memref<1x40x128xf32, #tpu.memory_space<vmem>>
      %dma_wait3A_271 = tpu.memref_squeeze %dma_wait3A_270 : memref<1x40x128xf32, #tpu.memory_space<vmem>> -> memref<40x128xf32, #tpu.memory_space<vmem>>
      %dma_wait3A_272 = arith.constant 0 : i32
      %dma_wait3A_273 = tpu.memref_slice %arg4[%add3A_266, %dma_wait3A_272] : memref<320000x128xf32, #tpu.memory_space<hbm>> -> memref<40x128xf32, #tpu.memory_space<hbm>>
      %dma_wait3A_274 = arith.constant 0 : i32
      %dma_wait3A_275 = tpu.memref_slice %arg4[%add3A_266, %dma_wait3A_274] : memref<320000x128xf32, #tpu.memory_space<hbm>> -> memref<40x128xf32, #tpu.memory_space<hbm>>
      %dma_wait3A_276 = arith.constant 0 : i32
      %dma_wait3A_277 = arith.constant 0 : i32
      %dma_wait3A_278 = tpu.memref_slice %arg7[%dma_wait3A_267, %dma_wait3A_276, %dma_wait3A_277] : memref<4x40x128xf32, #tpu.memory_space<vmem>> -> memref<1x40x128xf32, #tpu.memory_space<vmem>>
      %dma_wait3A_279 = tpu.memref_squeeze %dma_wait3A_278 : memref<1x40x128xf32, #tpu.memory_space<vmem>> -> memref<40x128xf32, #tpu.memory_space<vmem>>
      tpu.wait_dma2 semaphore(%arg13 : memref<!tpu.dma_semaphore, #tpu.memory_space<semaphore_mem>>) src(%dma_wait3A_279 : memref<40x128xf32, #tpu.memory_space<vmem>>) dst(%dma_wait3A_275 : memref<40x128xf32, #tpu.memory_space<hbm>>)
      %add3A_280 = arith.constant 0 : i32
      %add3A_281 = arith.addi %mul3A_137, %add3A_280 : i32
      %add3A_282 = arith.constant 4 : i32
      %add3A_283 = arith.addi %add3A_281, %add3A_282 : i32
      %lt3A = arith.constant 250 : i32
      %lt3A_284 = arith.cmpi slt, %add3A_283, %lt3A : i32
      %convert_element_type3A_285 = arith.extui %lt3A_284 : i1 to i32
      %cond3A_286 = arith.constant 0 : i32
      %cond3A_287 = arith.cmpi ne, %convert_element_type3A_285, %cond3A_286 : i32
      scf.if %cond3A_287 {
        %add3A_369 = arith.constant 0 : i32
        %add3A_370 = arith.addi %mul3A_137, %add3A_369 : i32
        %add3A_371 = arith.constant 4 : i32
        %add3A_372 = arith.addi %add3A_370, %add3A_371 : i32
        %mul3A_373 = arith.constant 40 : i32
        %mul3A_374 = arith.muli %add3A_372, %mul3A_373 : i32
        %dma_start3A_375 = arith.constant 0 : i32
        %dma_start3A_376 = arith.constant 0 : i32
        %dma_start3A_377 = arith.constant 0 : i32
        %dma_start3A_378 = tpu.memref_slice %arg7[%dma_start3A_375, %dma_start3A_376, %dma_start3A_377] : memref<4x40x128xf32, #tpu.memory_space<vmem>> -> memref<1x40x128xf32, #tpu.memory_space<vmem>>
        %dma_start3A_379 = tpu.memref_squeeze %dma_start3A_378 : memref<1x40x128xf32, #tpu.memory_space<vmem>> -> memref<40x128xf32, #tpu.memory_space<vmem>>
        %dma_start3A_380 = tpu.memref_slice %arg6[%mul3A_374] : memref<10000xi32, #tpu.memory_space<vmem>> -> memref<40xi32, #tpu.memory_space<vmem>>
        %dma_start3A_381 = arith.constant 0 : i32
        %dma_start3A_382 = arith.constant 0 : i32
        %dma_start3A_383 = tpu.memref_slice %arg8[%dma_start3A_381, %dma_start3A_382] : memref<384x128xf32, #tpu.memory_space<vmem_shared>> -> memref<384x128xf32, #tpu.memory_space<vmem_shared>>
        tpu.enqueue_indirect_dma source(%dma_start3A_383 : memref<384x128xf32, #tpu.memory_space<vmem_shared>>) target(%dma_start3A_379 : memref<40x128xf32, #tpu.memory_space<vmem>>) offsets(%dma_start3A_380 : memref<40xi32, #tpu.memory_space<vmem>>) semaphore(%arg9 : memref<!tpu.dma_semaphore, #tpu.memory_space<semaphore_mem>>)
      } else {
      }
      %add3A_288 = arith.constant 1 : i32
      %add3A_289 = arith.addi %mul3A_137, %add3A_288 : i32
      %mul3A_290 = arith.constant 40 : i32
      %mul3A_291 = arith.muli %add3A_289, %mul3A_290 : i32
      %add3A_292 = arith.addi %mul3A_2, %mul3A_291 : i32
      %dma_wait3A_293 = arith.constant 1 : i32
      %dma_wait3A_294 = arith.constant 0 : i32
      %dma_wait3A_295 = arith.constant 0 : i32
      %dma_wait3A_296 = tpu.memref_slice %arg7[%dma_wait3A_293, %dma_wait3A_294, %dma_wait3A_295] : memref<4x40x128xf32, #tpu.memory_space<vmem>> -> memref<1x40x128xf32, #tpu.memory_space<vmem>>
      %dma_wait3A_297 = tpu.memref_squeeze %dma_wait3A_296 : memref<1x40x128xf32, #tpu.memory_space<vmem>> -> memref<40x128xf32, #tpu.memory_space<vmem>>
      %dma_wait3A_298 = arith.constant 0 : i32
      %dma_wait3A_299 = tpu.memref_slice %arg4[%add3A_292, %dma_wait3A_298] : memref<320000x128xf32, #tpu.memory_space<hbm>> -> memref<40x128xf32, #tpu.memory_space<hbm>>
      %dma_wait3A_300 = arith.constant 0 : i32
      %dma_wait3A_301 = tpu.memref_slice %arg4[%add3A_292, %dma_wait3A_300] : memref<320000x128xf32, #tpu.memory_space<hbm>> -> memref<40x128xf32, #tpu.memory_space<hbm>>
      %dma_wait3A_302 = arith.constant 0 : i32
      %dma_wait3A_303 = arith.constant 0 : i32
      %dma_wait3A_304 = tpu.memref_slice %arg7[%dma_wait3A_293, %dma_wait3A_302, %dma_wait3A_303] : memref<4x40x128xf32, #tpu.memory_space<vmem>> -> memref<1x40x128xf32, #tpu.memory_space<vmem>>
      %dma_wait3A_305 = tpu.memref_squeeze %dma_wait3A_304 : memref<1x40x128xf32, #tpu.memory_space<vmem>> -> memref<40x128xf32, #tpu.memory_space<vmem>>
      tpu.wait_dma2 semaphore(%arg14 : memref<!tpu.dma_semaphore, #tpu.memory_space<semaphore_mem>>) src(%dma_wait3A_305 : memref<40x128xf32, #tpu.memory_space<vmem>>) dst(%dma_wait3A_301 : memref<40x128xf32, #tpu.memory_space<hbm>>)
      %add3A_306 = arith.constant 1 : i32
      %add3A_307 = arith.addi %mul3A_137, %add3A_306 : i32
      %add3A_308 = arith.constant 4 : i32
      %add3A_309 = arith.addi %add3A_307, %add3A_308 : i32
      %lt3A_310 = arith.constant 250 : i32
      %lt3A_311 = arith.cmpi slt, %add3A_309, %lt3A_310 : i32
      %convert_element_type3A_312 = arith.extui %lt3A_311 : i1 to i32
      %cond3A_313 = arith.constant 0 : i32
      %cond3A_314 = arith.cmpi ne, %convert_element_type3A_312, %cond3A_313 : i32
      scf.if %cond3A_314 {
        %add3A_369 = arith.constant 1 : i32
        %add3A_370 = arith.addi %mul3A_137, %add3A_369 : i32
        %add3A_371 = arith.constant 4 : i32
        %add3A_372 = arith.addi %add3A_370, %add3A_371 : i32
        %mul3A_373 = arith.constant 40 : i32
        %mul3A_374 = arith.muli %add3A_372, %mul3A_373 : i32
        %dma_start3A_375 = arith.constant 1 : i32
        %dma_start3A_376 = arith.constant 0 : i32
        %dma_start3A_377 = arith.constant 0 : i32
        %dma_start3A_378 = tpu.memref_slice %arg7[%dma_start3A_375, %dma_start3A_376, %dma_start3A_377] : memref<4x40x128xf32, #tpu.memory_space<vmem>> -> memref<1x40x128xf32, #tpu.memory_space<vmem>>
        %dma_start3A_379 = tpu.memref_squeeze %dma_start3A_378 : memref<1x40x128xf32, #tpu.memory_space<vmem>> -> memref<40x128xf32, #tpu.memory_space<vmem>>
        %dma_start3A_380 = tpu.memref_slice %arg6[%mul3A_374] : memref<10000xi32, #tpu.memory_space<vmem>> -> memref<40xi32, #tpu.memory_space<vmem>>
        %dma_start3A_381 = arith.constant 0 : i32
        %dma_start3A_382 = arith.constant 0 : i32
        %dma_start3A_383 = tpu.memref_slice %arg8[%dma_start3A_381, %dma_start3A_382] : memref<384x128xf32, #tpu.memory_space<vmem_shared>> -> memref<384x128xf32, #tpu.memory_space<vmem_shared>>
        tpu.enqueue_indirect_dma source(%dma_start3A_383 : memref<384x128xf32, #tpu.memory_space<vmem_shared>>) target(%dma_start3A_379 : memref<40x128xf32, #tpu.memory_space<vmem>>) offsets(%dma_start3A_380 : memref<40xi32, #tpu.memory_space<vmem>>) semaphore(%arg10 : memref<!tpu.dma_semaphore, #tpu.memory_space<semaphore_mem>>)
      } else {
      }
      %add3A_315 = arith.constant 2 : i32
      %add3A_316 = arith.addi %mul3A_137, %add3A_315 : i32
      %mul3A_317 = arith.constant 40 : i32
      %mul3A_318 = arith.muli %add3A_316, %mul3A_317 : i32
      %add3A_319 = arith.addi %mul3A_2, %mul3A_318 : i32
      %dma_wait3A_320 = arith.constant 2 : i32
      %dma_wait3A_321 = arith.constant 0 : i32
      %dma_wait3A_322 = arith.constant 0 : i32
      %dma_wait3A_323 = tpu.memref_slice %arg7[%dma_wait3A_320, %dma_wait3A_321, %dma_wait3A_322] : memref<4x40x128xf32, #tpu.memory_space<vmem>> -> memref<1x40x128xf32, #tpu.memory_space<vmem>>
      %dma_wait3A_324 = tpu.memref_squeeze %dma_wait3A_323 : memref<1x40x128xf32, #tpu.memory_space<vmem>> -> memref<40x128xf32, #tpu.memory_space<vmem>>
      %dma_wait3A_325 = arith.constant 0 : i32
      %dma_wait3A_326 = tpu.memref_slice %arg4[%add3A_319, %dma_wait3A_325] : memref<320000x128xf32, #tpu.memory_space<hbm>> -> memref<40x128xf32, #tpu.memory_space<hbm>>
      %dma_wait3A_327 = arith.constant 0 : i32
      %dma_wait3A_328 = tpu.memref_slice %arg4[%add3A_319, %dma_wait3A_327] : memref<320000x128xf32, #tpu.memory_space<hbm>> -> memref<40x128xf32, #tpu.memory_space<hbm>>
      %dma_wait3A_329 = arith.constant 0 : i32
      %dma_wait3A_330 = arith.constant 0 : i32
      %dma_wait3A_331 = tpu.memref_slice %arg7[%dma_wait3A_320, %dma_wait3A_329, %dma_wait3A_330] : memref<4x40x128xf32, #tpu.memory_space<vmem>> -> memref<1x40x128xf32, #tpu.memory_space<vmem>>
      %dma_wait3A_332 = tpu.memref_squeeze %dma_wait3A_331 : memref<1x40x128xf32, #tpu.memory_space<vmem>> -> memref<40x128xf32, #tpu.memory_space<vmem>>
      tpu.wait_dma2 semaphore(%arg15 : memref<!tpu.dma_semaphore, #tpu.memory_space<semaphore_mem>>) src(%dma_wait3A_332 : memref<40x128xf32, #tpu.memory_space<vmem>>) dst(%dma_wait3A_328 : memref<40x128xf32, #tpu.memory_space<hbm>>)
      %add3A_333 = arith.constant 2 : i32
      %add3A_334 = arith.addi %mul3A_137, %add3A_333 : i32
      %add3A_335 = arith.constant 4 : i32
      %add3A_336 = arith.addi %add3A_334, %add3A_335 : i32
      %lt3A_337 = arith.constant 250 : i32
      %lt3A_338 = arith.cmpi slt, %add3A_336, %lt3A_337 : i32
      %convert_element_type3A_339 = arith.extui %lt3A_338 : i1 to i32
      %cond3A_340 = arith.constant 0 : i32
      %cond3A_341 = arith.cmpi ne, %convert_element_type3A_339, %cond3A_340 : i32
      scf.if %cond3A_341 {
        %add3A_369 = arith.constant 2 : i32
        %add3A_370 = arith.addi %mul3A_137, %add3A_369 : i32
        %add3A_371 = arith.constant 4 : i32
        %add3A_372 = arith.addi %add3A_370, %add3A_371 : i32
        %mul3A_373 = arith.constant 40 : i32
        %mul3A_374 = arith.muli %add3A_372, %mul3A_373 : i32
        %dma_start3A_375 = arith.constant 2 : i32
        %dma_start3A_376 = arith.constant 0 : i32
        %dma_start3A_377 = arith.constant 0 : i32
        %dma_start3A_378 = tpu.memref_slice %arg7[%dma_start3A_375, %dma_start3A_376, %dma_start3A_377] : memref<4x40x128xf32, #tpu.memory_space<vmem>> -> memref<1x40x128xf32, #tpu.memory_space<vmem>>
        %dma_start3A_379 = tpu.memref_squeeze %dma_start3A_378 : memref<1x40x128xf32, #tpu.memory_space<vmem>> -> memref<40x128xf32, #tpu.memory_space<vmem>>
        %dma_start3A_380 = tpu.memref_slice %arg6[%mul3A_374] : memref<10000xi32, #tpu.memory_space<vmem>> -> memref<40xi32, #tpu.memory_space<vmem>>
        %dma_start3A_381 = arith.constant 0 : i32
        %dma_start3A_382 = arith.constant 0 : i32
        %dma_start3A_383 = tpu.memref_slice %arg8[%dma_start3A_381, %dma_start3A_382] : memref<384x128xf32, #tpu.memory_space<vmem_shared>> -> memref<384x128xf32, #tpu.memory_space<vmem_shared>>
        tpu.enqueue_indirect_dma source(%dma_start3A_383 : memref<384x128xf32, #tpu.memory_space<vmem_shared>>) target(%dma_start3A_379 : memref<40x128xf32, #tpu.memory_space<vmem>>) offsets(%dma_start3A_380 : memref<40xi32, #tpu.memory_space<vmem>>) semaphore(%arg11 : memref<!tpu.dma_semaphore, #tpu.memory_space<semaphore_mem>>)
      } else {
      }
      %add3A_342 = arith.constant 3 : i32
      %add3A_343 = arith.addi %mul3A_137, %add3A_342 : i32
      %mul3A_344 = arith.constant 40 : i32
      %mul3A_345 = arith.muli %add3A_343, %mul3A_344 : i32
      %add3A_346 = arith.addi %mul3A_2, %mul3A_345 : i32
      %dma_wait3A_347 = arith.constant 3 : i32
      %dma_wait3A_348 = arith.constant 0 : i32
      %dma_wait3A_349 = arith.constant 0 : i32
      %dma_wait3A_350 = tpu.memref_slice %arg7[%dma_wait3A_347, %dma_wait3A_348, %dma_wait3A_349] : memref<4x40x128xf32, #tpu.memory_space<vmem>> -> memref<1x40x128xf32, #tpu.memory_space<vmem>>
      %dma_wait3A_351 = tpu.memref_squeeze %dma_wait3A_350 : memref<1x40x128xf32, #tpu.memory_space<vmem>> -> memref<40x128xf32, #tpu.memory_space<vmem>>
      %dma_wait3A_352 = arith.constant 0 : i32
      %dma_wait3A_353 = tpu.memref_slice %arg4[%add3A_346, %dma_wait3A_352] : memref<320000x128xf32, #tpu.memory_space<hbm>> -> memref<40x128xf32, #tpu.memory_space<hbm>>
      %dma_wait3A_354 = arith.constant 0 : i32
      %dma_wait3A_355 = tpu.memref_slice %arg4[%add3A_346, %dma_wait3A_354] : memref<320000x128xf32, #tpu.memory_space<hbm>> -> memref<40x128xf32, #tpu.memory_space<hbm>>
      %dma_wait3A_356 = arith.constant 0 : i32
      %dma_wait3A_357 = arith.constant 0 : i32
      %dma_wait3A_358 = tpu.memref_slice %arg7[%dma_wait3A_347, %dma_wait3A_356, %dma_wait3A_357] : memref<4x40x128xf32, #tpu.memory_space<vmem>> -> memref<1x40x128xf32, #tpu.memory_space<vmem>>
      %dma_wait3A_359 = tpu.memref_squeeze %dma_wait3A_358 : memref<1x40x128xf32, #tpu.memory_space<vmem>> -> memref<40x128xf32, #tpu.memory_space<vmem>>
      tpu.wait_dma2 semaphore(%arg16 : memref<!tpu.dma_semaphore, #tpu.memory_space<semaphore_mem>>) src(%dma_wait3A_359 : memref<40x128xf32, #tpu.memory_space<vmem>>) dst(%dma_wait3A_355 : memref<40x128xf32, #tpu.memory_space<hbm>>)
      %add3A_360 = arith.constant 3 : i32
      %add3A_361 = arith.addi %mul3A_137, %add3A_360 : i32
      %add3A_362 = arith.constant 4 : i32
      %add3A_363 = arith.addi %add3A_361, %add3A_362 : i32
      %lt3A_364 = arith.constant 250 : i32
      %lt3A_365 = arith.cmpi slt, %add3A_363, %lt3A_364 : i32
      %convert_element_type3A_366 = arith.extui %lt3A_365 : i1 to i32
      %cond3A_367 = arith.constant 0 : i32
      %cond3A_368 = arith.cmpi ne, %convert_element_type3A_366, %cond3A_367 : i32
      scf.if %cond3A_368 {
        %add3A_369 = arith.constant 3 : i32
        %add3A_370 = arith.addi %mul3A_137, %add3A_369 : i32
        %add3A_371 = arith.constant 4 : i32
        %add3A_372 = arith.addi %add3A_370, %add3A_371 : i32
        %mul3A_373 = arith.constant 40 : i32
        %mul3A_374 = arith.muli %add3A_372, %mul3A_373 : i32
        %dma_start3A_375 = arith.constant 3 : i32
        %dma_start3A_376 = arith.constant 0 : i32
        %dma_start3A_377 = arith.constant 0 : i32
        %dma_start3A_378 = tpu.memref_slice %arg7[%dma_start3A_375, %dma_start3A_376, %dma_start3A_377] : memref<4x40x128xf32, #tpu.memory_space<vmem>> -> memref<1x40x128xf32, #tpu.memory_space<vmem>>
        %dma_start3A_379 = tpu.memref_squeeze %dma_start3A_378 : memref<1x40x128xf32, #tpu.memory_space<vmem>> -> memref<40x128xf32, #tpu.memory_space<vmem>>
        %dma_start3A_380 = tpu.memref_slice %arg6[%mul3A_374] : memref<10000xi32, #tpu.memory_space<vmem>> -> memref<40xi32, #tpu.memory_space<vmem>>
        %dma_start3A_381 = arith.constant 0 : i32
        %dma_start3A_382 = arith.constant 0 : i32
        %dma_start3A_383 = tpu.memref_slice %arg8[%dma_start3A_381, %dma_start3A_382] : memref<384x128xf32, #tpu.memory_space<vmem_shared>> -> memref<384x128xf32, #tpu.memory_space<vmem_shared>>
        tpu.enqueue_indirect_dma source(%dma_start3A_383 : memref<384x128xf32, #tpu.memory_space<vmem_shared>>) target(%dma_start3A_379 : memref<40x128xf32, #tpu.memory_space<vmem>>) offsets(%dma_start3A_380 : memref<40xi32, #tpu.memory_space<vmem>>) semaphore(%arg12 : memref<!tpu.dma_semaphore, #tpu.memory_space<semaphore_mem>>)
      } else {
      }
    }
    %scan3A_55 = arith.constant 62 : i32
    %dma_wait3A = arith.constant 0 : i32
    %dma_wait3A_56 = arith.constant 0 : i32
    %dma_wait3A_57 = arith.constant 0 : i32
    %dma_wait3A_58 = tpu.memref_slice %arg7[%dma_wait3A, %dma_wait3A_56, %dma_wait3A_57] : memref<4x40x128xf32, #tpu.memory_space<vmem>> -> memref<1x40x128xf32, #tpu.memory_space<vmem>>
    %dma_wait3A_59 = tpu.memref_squeeze %dma_wait3A_58 : memref<1x40x128xf32, #tpu.memory_space<vmem>> -> memref<40x128xf32, #tpu.memory_space<vmem>>
    %dma_wait3A_60 = arith.constant 9920 : i32
    %dma_wait3A_61 = tpu.memref_slice %arg6[%dma_wait3A_60] : memref<10000xi32, #tpu.memory_space<vmem>> -> memref<40xi32, #tpu.memory_space<vmem>>
    %dma_wait3A_62 = arith.constant 0 : i32
    %dma_wait3A_63 = arith.constant 0 : i32
    %dma_wait3A_64 = tpu.memref_slice %arg8[%dma_wait3A_62, %dma_wait3A_63] : memref<384x128xf32, #tpu.memory_space<vmem_shared>> -> memref<384x128xf32, #tpu.memory_space<vmem_shared>>
    tpu.wait_indirect_dma semaphore(%arg9 : memref<!tpu.dma_semaphore, #tpu.memory_space<semaphore_mem>>) src(%dma_wait3A_64 : memref<384x128xf32, #tpu.memory_space<vmem_shared>>) dst(%dma_wait3A_59 : memref<40x128xf32, #tpu.memory_space<vmem>>)
    %add3A_65 = arith.constant 9920 : i32
    %add3A_66 = arith.addi %mul3A_2, %add3A_65 : i32
    %dma_start3A_67 = arith.constant 0 : i32
    %dma_start3A_68 = arith.constant 0 : i32
    %dma_start3A_69 = arith.constant 0 : i32
    %dma_start3A_70 = tpu.memref_slice %arg7[%dma_start3A_67, %dma_start3A_68, %dma_start3A_69] : memref<4x40x128xf32, #tpu.memory_space<vmem>> -> memref<1x40x128xf32, #tpu.memory_space<vmem>>
    %dma_start3A_71 = tpu.memref_squeeze %dma_start3A_70 : memref<1x40x128xf32, #tpu.memory_space<vmem>> -> memref<40x128xf32, #tpu.memory_space<vmem>>
    %dma_start3A_72 = arith.constant 0 : i32
    %dma_start3A_73 = tpu.memref_slice %arg4[%add3A_66, %dma_start3A_72] : memref<320000x128xf32, #tpu.memory_space<hbm>> -> memref<40x128xf32, #tpu.memory_space<hbm>>
    %dma_start3A_74 = arith.constant 0 : i32
    %dma_start3A_75 = tpu.memref_slice %arg4[%add3A_66, %dma_start3A_74] : memref<320000x128xf32, #tpu.memory_space<hbm>> -> memref<40x128xf32, #tpu.memory_space<hbm>>
    %dma_start3A_76 = arith.constant 0 : i32
    %dma_start3A_77 = arith.constant 0 : i32
    %dma_start3A_78 = tpu.memref_slice %arg7[%dma_start3A_67, %dma_start3A_76, %dma_start3A_77] : memref<4x40x128xf32, #tpu.memory_space<vmem>> -> memref<1x40x128xf32, #tpu.memory_space<vmem>>
    %dma_start3A_79 = tpu.memref_squeeze %dma_start3A_78 : memref<1x40x128xf32, #tpu.memory_space<vmem>> -> memref<40x128xf32, #tpu.memory_space<vmem>>
    tpu.enqueue_dma source(%dma_start3A_79 : memref<40x128xf32, #tpu.memory_space<vmem>>) target(%dma_start3A_75 : memref<40x128xf32, #tpu.memory_space<hbm>>) target_semaphore(%arg13 : memref<!tpu.dma_semaphore, #tpu.memory_space<semaphore_mem>>)
    %add3A_80 = arith.constant 9920 : i32
    %add3A_81 = arith.addi %mul3A_2, %add3A_80 : i32
    %dma_wait3A_82 = arith.constant 0 : i32
    %dma_wait3A_83 = arith.constant 0 : i32
    %dma_wait3A_84 = arith.constant 0 : i32
    %dma_wait3A_85 = tpu.memref_slice %arg7[%dma_wait3A_82, %dma_wait3A_83, %dma_wait3A_84] : memref<4x40x128xf32, #tpu.memory_space<vmem>> -> memref<1x40x128xf32, #tpu.memory_space<vmem>>
    %dma_wait3A_86 = tpu.memref_squeeze %dma_wait3A_85 : memref<1x40x128xf32, #tpu.memory_space<vmem>> -> memref<40x128xf32, #tpu.memory_space<vmem>>
    %dma_wait3A_87 = arith.constant 0 : i32
    %dma_wait3A_88 = tpu.memref_slice %arg4[%add3A_81, %dma_wait3A_87] : memref<320000x128xf32, #tpu.memory_space<hbm>> -> memref<40x128xf32, #tpu.memory_space<hbm>>
    %dma_wait3A_89 = arith.constant 0 : i32
    %dma_wait3A_90 = tpu.memref_slice %arg4[%add3A_81, %dma_wait3A_89] : memref<320000x128xf32, #tpu.memory_space<hbm>> -> memref<40x128xf32, #tpu.memory_space<hbm>>
    %dma_wait3A_91 = arith.constant 0 : i32
    %dma_wait3A_92 = arith.constant 0 : i32
    %dma_wait3A_93 = tpu.memref_slice %arg7[%dma_wait3A_82, %dma_wait3A_91, %dma_wait3A_92] : memref<4x40x128xf32, #tpu.memory_space<vmem>> -> memref<1x40x128xf32, #tpu.memory_space<vmem>>
    %dma_wait3A_94 = tpu.memref_squeeze %dma_wait3A_93 : memref<1x40x128xf32, #tpu.memory_space<vmem>> -> memref<40x128xf32, #tpu.memory_space<vmem>>
    tpu.wait_dma2 semaphore(%arg13 : memref<!tpu.dma_semaphore, #tpu.memory_space<semaphore_mem>>) src(%dma_wait3A_94 : memref<40x128xf32, #tpu.memory_space<vmem>>) dst(%dma_wait3A_90 : memref<40x128xf32, #tpu.memory_space<hbm>>)
    %dma_wait3A_95 = arith.constant 1 : i32
    %dma_wait3A_96 = arith.constant 0 : i32
    %dma_wait3A_97 = arith.constant 0 : i32
    %dma_wait3A_98 = tpu.memref_slice %arg7[%dma_wait3A_95, %dma_wait3A_96, %dma_wait3A_97] : memref<4x40x128xf32, #tpu.memory_space<vmem>> -> memref<1x40x128xf32, #tpu.memory_space<vmem>>
    %dma_wait3A_99 = tpu.memref_squeeze %dma_wait3A_98 : memref<1x40x128xf32, #tpu.memory_space<vmem>> -> memref<40x128xf32, #tpu.memory_space<vmem>>
    %dma_wait3A_100 = arith.constant 9960 : i32
    %dma_wait3A_101 = tpu.memref_slice %arg6[%dma_wait3A_100] : memref<10000xi32, #tpu.memory_space<vmem>> -> memref<40xi32, #tpu.memory_space<vmem>>
    %dma_wait3A_102 = arith.constant 0 : i32
    %dma_wait3A_103 = arith.constant 0 : i32
    %dma_wait3A_104 = tpu.memref_slice %arg8[%dma_wait3A_102, %dma_wait3A_103] : memref<384x128xf32, #tpu.memory_space<vmem_shared>> -> memref<384x128xf32, #tpu.memory_space<vmem_shared>>
    tpu.wait_indirect_dma semaphore(%arg10 : memref<!tpu.dma_semaphore, #tpu.memory_space<semaphore_mem>>) src(%dma_wait3A_104 : memref<384x128xf32, #tpu.memory_space<vmem_shared>>) dst(%dma_wait3A_99 : memref<40x128xf32, #tpu.memory_space<vmem>>)
    %add3A_105 = arith.constant 9960 : i32
    %add3A_106 = arith.addi %mul3A_2, %add3A_105 : i32
    %dma_start3A_107 = arith.constant 1 : i32
    %dma_start3A_108 = arith.constant 0 : i32
    %dma_start3A_109 = arith.constant 0 : i32
    %dma_start3A_110 = tpu.memref_slice %arg7[%dma_start3A_107, %dma_start3A_108, %dma_start3A_109] : memref<4x40x128xf32, #tpu.memory_space<vmem>> -> memref<1x40x128xf32, #tpu.memory_space<vmem>>
    %dma_start3A_111 = tpu.memref_squeeze %dma_start3A_110 : memref<1x40x128xf32, #tpu.memory_space<vmem>> -> memref<40x128xf32, #tpu.memory_space<vmem>>
    %dma_start3A_112 = arith.constant 0 : i32
    %dma_start3A_113 = tpu.memref_slice %arg4[%add3A_106, %dma_start3A_112] : memref<320000x128xf32, #tpu.memory_space<hbm>> -> memref<40x128xf32, #tpu.memory_space<hbm>>
    %dma_start3A_114 = arith.constant 0 : i32
    %dma_start3A_115 = tpu.memref_slice %arg4[%add3A_106, %dma_start3A_114] : memref<320000x128xf32, #tpu.memory_space<hbm>> -> memref<40x128xf32, #tpu.memory_space<hbm>>
    %dma_start3A_116 = arith.constant 0 : i32
    %dma_start3A_117 = arith.constant 0 : i32
    %dma_start3A_118 = tpu.memref_slice %arg7[%dma_start3A_107, %dma_start3A_116, %dma_start3A_117] : memref<4x40x128xf32, #tpu.memory_space<vmem>> -> memref<1x40x128xf32, #tpu.memory_space<vmem>>
    %dma_start3A_119 = tpu.memref_squeeze %dma_start3A_118 : memref<1x40x128xf32, #tpu.memory_space<vmem>> -> memref<40x128xf32, #tpu.memory_space<vmem>>
    tpu.enqueue_dma source(%dma_start3A_119 : memref<40x128xf32, #tpu.memory_space<vmem>>) target(%dma_start3A_115 : memref<40x128xf32, #tpu.memory_space<hbm>>) target_semaphore(%arg14 : memref<!tpu.dma_semaphore, #tpu.memory_space<semaphore_mem>>)
    %add3A_120 = arith.constant 9960 : i32
    %add3A_121 = arith.addi %mul3A_2, %add3A_120 : i32
    %dma_wait3A_122 = arith.constant 1 : i32
    %dma_wait3A_123 = arith.constant 0 : i32
    %dma_wait3A_124 = arith.constant 0 : i32
    %dma_wait3A_125 = tpu.memref_slice %arg7[%dma_wait3A_122, %dma_wait3A_123, %dma_wait3A_124] : memref<4x40x128xf32, #tpu.memory_space<vmem>> -> memref<1x40x128xf32, #tpu.memory_space<vmem>>
    %dma_wait3A_126 = tpu.memref_squeeze %dma_wait3A_125 : memref<1x40x128xf32, #tpu.memory_space<vmem>> -> memref<40x128xf32, #tpu.memory_space<vmem>>
    %dma_wait3A_127 = arith.constant 0 : i32
    %dma_wait3A_128 = tpu.memref_slice %arg4[%add3A_121, %dma_wait3A_127] : memref<320000x128xf32, #tpu.memory_space<hbm>> -> memref<40x128xf32, #tpu.memory_space<hbm>>
    %dma_wait3A_129 = arith.constant 0 : i32
    %dma_wait3A_130 = tpu.memref_slice %arg4[%add3A_121, %dma_wait3A_129] : memref<320000x128xf32, #tpu.memory_space<hbm>> -> memref<40x128xf32, #tpu.memory_space<hbm>>
    %dma_wait3A_131 = arith.constant 0 : i32
    %dma_wait3A_132 = arith.constant 0 : i32
    %dma_wait3A_133 = tpu.memref_slice %arg7[%dma_wait3A_122, %dma_wait3A_131, %dma_wait3A_132] : memref<4x40x128xf32, #tpu.memory_space<vmem>> -> memref<1x40x128xf32, #tpu.memory_space<vmem>>
    %dma_wait3A_134 = tpu.memref_squeeze %dma_wait3A_133 : memref<1x40x128xf32, #tpu.memory_space<vmem>> -> memref<40x128xf32, #tpu.memory_space<vmem>>
    tpu.wait_dma2 semaphore(%arg14 : memref<!tpu.dma_semaphore, #tpu.memory_space<semaphore_mem>>) src(%dma_wait3A_134 : memref<40x128xf32, #tpu.memory_space<vmem>>) dst(%dma_wait3A_130 : memref<40x128xf32, #tpu.memory_space<hbm>>)
    return
  }
}

module attributes {stable_mosaic.version = 14 : i64} {
  func.func @_edge_combo_body(%arg0: i32, %arg1: memref<32x128xf32, #tpu.memory_space<vmem>>, %arg2: memref<128x256xf32, #tpu.memory_space<vmem>>, %arg3: memref<1x256xf32, #tpu.memory_space<vmem>>, %arg4: memref<1x256xf32, #tpu.memory_space<vmem>>, %arg5: memref<1x256xf32, #tpu.memory_space<vmem>>, %arg6: memref<256x128xf32, #tpu.memory_space<vmem>>, %arg7: memref<1x128xf32, #tpu.memory_space<vmem>>, %arg8: memref<1x128xf32, #tpu.memory_space<vmem>>, %arg9: memref<1x128xf32, #tpu.memory_space<vmem>>, %arg10: memref<384x128xf32, #tpu.memory_space<vmem>>) attributes {dimension_semantics = [#tpu.dimension_semantics<arbitrary>], iteration_bounds = array<i64: 1>, scalar_prefetch = 0 : i64, scratch_operands = 0 : i64, tpu.core_type = #tpu.core_type<tc>, window_params = [{pipeline_mode = #tpu.pipeline_mode<synchronous>, transform_indices = @transform_0, window_bounds = array<i64: 32, 128>}, {pipeline_mode = #tpu.pipeline_mode<synchronous>, transform_indices = @transform_1, window_bounds = array<i64: 128, 256>}, {pipeline_mode = #tpu.pipeline_mode<synchronous>, transform_indices = @transform_2, window_bounds = array<i64: 1, 256>}, {pipeline_mode = #tpu.pipeline_mode<synchronous>, transform_indices = @transform_3, window_bounds = array<i64: 1, 256>}, {pipeline_mode = #tpu.pipeline_mode<synchronous>, transform_indices = @transform_4, window_bounds = array<i64: 1, 256>}, {pipeline_mode = #tpu.pipeline_mode<synchronous>, transform_indices = @transform_5, window_bounds = array<i64: 256, 128>}, {pipeline_mode = #tpu.pipeline_mode<synchronous>, transform_indices = @transform_6, window_bounds = array<i64: 1, 128>}, {pipeline_mode = #tpu.pipeline_mode<synchronous>, transform_indices = @transform_7, window_bounds = array<i64: 1, 128>}, {pipeline_mode = #tpu.pipeline_mode<synchronous>, transform_indices = @transform_8, window_bounds = array<i64: 1, 128>}, {pipeline_mode = #tpu.pipeline_mode<synchronous>, transform_indices = @transform_9, window_bounds = array<i64: 384, 128>}]} {
    %iota3A = tpu.iota {dimensions = array<i32: 0>} : vector<384x1xi32>
    %squeeze3A = vector.shape_cast %iota3A : vector<384x1xi32> to vector<384xi32>
    %jit3A = arith.constant 12 : i32
    %div3A = vector.broadcast %jit3A : i32 to vector<384xi32>
    %div3A_0 = arith.divsi %squeeze3A, %div3A : vector<384xi32>
    %sign3A = arith.constant 0 : i32
    %sign3A_1 = vector.broadcast %sign3A : i32 to vector<384xi32>
    %sign3A_2 = arith.cmpi sgt, %squeeze3A, %sign3A_1 : vector<384xi32>
    %sign3A_3 = arith.extui %sign3A_2 : vector<384xi1> to vector<384xi32>
    %sign3A_4 = arith.constant 0 : i32
    %sign3A_5 = vector.broadcast %sign3A_4 : i32 to vector<384xi32>
    %sign3A_6 = arith.cmpi slt, %squeeze3A, %sign3A_5 : vector<384xi32>
    %sign3A_7 = arith.extui %sign3A_6 : vector<384xi1> to vector<384xi32>
    %sign3A_8 = arith.subi %sign3A_3, %sign3A_7 : vector<384xi32>
    %sign3A_9 = arith.constant 0 : i32
    %sign3A_10 = arith.cmpi sgt, %jit3A, %sign3A_9 : i32
    %sign3A_11 = arith.extui %sign3A_10 : i1 to i32
    %sign3A_12 = arith.constant 0 : i32
    %sign3A_13 = arith.cmpi slt, %jit3A, %sign3A_12 : i32
    %sign3A_14 = arith.extui %sign3A_13 : i1 to i32
    %sign3A_15 = arith.subi %sign3A_11, %sign3A_14 : i32
    %ne3A = vector.broadcast %sign3A_15 : i32 to vector<384xi32>
    %ne3A_16 = arith.cmpi ne, %sign3A_8, %ne3A : vector<384xi32>
    %rem3A = vector.broadcast %jit3A : i32 to vector<384xi32>
    %rem3A_17 = arith.remsi %squeeze3A, %rem3A : vector<384xi32>
    %ne3A_18 = arith.constant 0 : i32
    %ne3A_19 = vector.broadcast %ne3A_18 : i32 to vector<384xi32>
    %ne3A_20 = arith.cmpi ne, %rem3A_17, %ne3A_19 : vector<384xi32>
    %and3A = arith.andi %ne3A_16, %ne3A_20 : vector<384xi1>
    %sub3A = arith.constant 1 : i32
    %sub3A_21 = vector.broadcast %sub3A : i32 to vector<384xi32>
    %sub3A_22 = arith.subi %div3A_0, %sub3A_21 : vector<384xi32>
    %select_n3A = arith.select %and3A, %sub3A_22, %div3A_0 : vector<384xi1>, vector<384xi32>
    %jit3A_23 = arith.constant 2 : i32
    %div3A_24 = vector.broadcast %jit3A_23 : i32 to vector<384xi32>
    %div3A_25 = arith.divsi %squeeze3A, %div3A_24 : vector<384xi32>
    %sign3A_26 = arith.constant 0 : i32
    %sign3A_27 = vector.broadcast %sign3A_26 : i32 to vector<384xi32>
    %sign3A_28 = arith.cmpi sgt, %squeeze3A, %sign3A_27 : vector<384xi32>
    %sign3A_29 = arith.extui %sign3A_28 : vector<384xi1> to vector<384xi32>
    %sign3A_30 = arith.constant 0 : i32
    %sign3A_31 = vector.broadcast %sign3A_30 : i32 to vector<384xi32>
    %sign3A_32 = arith.cmpi slt, %squeeze3A, %sign3A_31 : vector<384xi32>
    %sign3A_33 = arith.extui %sign3A_32 : vector<384xi1> to vector<384xi32>
    %sign3A_34 = arith.subi %sign3A_29, %sign3A_33 : vector<384xi32>
    %sign3A_35 = arith.constant 0 : i32
    %sign3A_36 = arith.cmpi sgt, %jit3A_23, %sign3A_35 : i32
    %sign3A_37 = arith.extui %sign3A_36 : i1 to i32
    %sign3A_38 = arith.constant 0 : i32
    %sign3A_39 = arith.cmpi slt, %jit3A_23, %sign3A_38 : i32
    %sign3A_40 = arith.extui %sign3A_39 : i1 to i32
    %sign3A_41 = arith.subi %sign3A_37, %sign3A_40 : i32
    %ne3A_42 = vector.broadcast %sign3A_41 : i32 to vector<384xi32>
    %ne3A_43 = arith.cmpi ne, %sign3A_34, %ne3A_42 : vector<384xi32>
    %rem3A_44 = vector.broadcast %jit3A_23 : i32 to vector<384xi32>
    %rem3A_45 = arith.remsi %squeeze3A, %rem3A_44 : vector<384xi32>
    %ne3A_46 = arith.constant 0 : i32
    %ne3A_47 = vector.broadcast %ne3A_46 : i32 to vector<384xi32>
    %ne3A_48 = arith.cmpi ne, %rem3A_45, %ne3A_47 : vector<384xi32>
    %and3A_49 = arith.andi %ne3A_43, %ne3A_48 : vector<384xi1>
    %sub3A_50 = arith.constant 1 : i32
    %sub3A_51 = vector.broadcast %sub3A_50 : i32 to vector<384xi32>
    %sub3A_52 = arith.subi %div3A_25, %sub3A_51 : vector<384xi32>
    %select_n3A_53 = arith.select %and3A_49, %sub3A_52, %div3A_25 : vector<384xi1>, vector<384xi32>
    %jit3A_54 = arith.constant 6 : i32
    %eq3A = arith.constant 0 : i32
    %eq3A_55 = arith.cmpi eq, %jit3A_54, %eq3A : i32
    %jit3A_56 = arith.constant 1 : i32
    %select_n3A_57 = arith.select %eq3A_55, %jit3A_56, %jit3A_54 : i32
    %rem3A_58 = vector.broadcast %select_n3A_57 : i32 to vector<384xi32>
    %rem3A_59 = arith.remsi %select_n3A_53, %rem3A_58 : vector<384xi32>
    %ne3A_60 = arith.constant 0 : i32
    %ne3A_61 = vector.broadcast %ne3A_60 : i32 to vector<384xi32>
    %ne3A_62 = arith.cmpi ne, %rem3A_59, %ne3A_61 : vector<384xi32>
    %lt3A = arith.constant 0 : i32
    %lt3A_63 = vector.broadcast %lt3A : i32 to vector<384xi32>
    %lt3A_64 = arith.cmpi slt, %rem3A_59, %lt3A_63 : vector<384xi32>
    %lt3A_65 = arith.constant 0 : i32
    %lt3A_66 = arith.cmpi slt, %select_n3A_57, %lt3A_65 : i32
    %ne3A_67 = vector.broadcast %lt3A_66 : i1 to vector<384xi1>
    %ne3A_68 = vector.broadcast %ne3A_67 : vector<384xi1> to vector<384xi1>
    %ne3A_69 = arith.xori %lt3A_64, %ne3A_68 : vector<384xi1>
    %and3A_70 = arith.andi %ne3A_69, %ne3A_62 : vector<384xi1>
    %add3A = vector.broadcast %select_n3A_57 : i32 to vector<384xi32>
    %add3A_71 = arith.addi %rem3A_59, %add3A : vector<384xi32>
    %select_n3A_72 = arith.select %and3A_70, %add3A_71, %rem3A_59 : vector<384xi1>, vector<384xi32>
    %jit3A_73 = arith.constant 2 : i32
    %eq3A_74 = arith.constant 0 : i32
    %eq3A_75 = arith.cmpi eq, %jit3A_73, %eq3A_74 : i32
    %jit3A_76 = arith.constant 1 : i32
    %select_n3A_77 = arith.select %eq3A_75, %jit3A_76, %jit3A_73 : i32
    %rem3A_78 = vector.broadcast %select_n3A_77 : i32 to vector<384xi32>
    %rem3A_79 = arith.remsi %squeeze3A, %rem3A_78 : vector<384xi32>
    %ne3A_80 = arith.constant 0 : i32
    %ne3A_81 = vector.broadcast %ne3A_80 : i32 to vector<384xi32>
    %ne3A_82 = arith.cmpi ne, %rem3A_79, %ne3A_81 : vector<384xi32>
    %lt3A_83 = arith.constant 0 : i32
    %lt3A_84 = vector.broadcast %lt3A_83 : i32 to vector<384xi32>
    %lt3A_85 = arith.cmpi slt, %rem3A_79, %lt3A_84 : vector<384xi32>
    %lt3A_86 = arith.constant 0 : i32
    %lt3A_87 = arith.cmpi slt, %select_n3A_77, %lt3A_86 : i32
    %ne3A_88 = vector.broadcast %lt3A_87 : i1 to vector<384xi1>
    %ne3A_89 = vector.broadcast %ne3A_88 : vector<384xi1> to vector<384xi1>
    %ne3A_90 = arith.xori %lt3A_85, %ne3A_89 : vector<384xi1>
    %and3A_91 = arith.andi %ne3A_90, %ne3A_82 : vector<384xi1>
    %add3A_92 = vector.broadcast %select_n3A_77 : i32 to vector<384xi32>
    %add3A_93 = arith.addi %rem3A_79, %add3A_92 : vector<384xi32>
    %select_n3A_94 = arith.select %and3A_91, %add3A_93, %rem3A_79 : vector<384xi1>, vector<384xi32>
    %broadcast_in_dim3A = arith.constant 0.000000e+00 : bf16
    %broadcast_in_dim3A_95 = vector.broadcast %broadcast_in_dim3A : bf16 to vector<384x32xbf16>
    %add3A_96 = arith.constant 0 : i32
    %add3A_97 = vector.broadcast %add3A_96 : i32 to vector<384xi32>
    %add3A_98 = arith.addi %select_n3A, %add3A_97 : vector<384xi32>
    %iota3A_99 = tpu.iota {dimensions = array<i32: 1>} : vector<384x32xi32>
    %broadcast_in_dim3A_100 = vector.shape_cast %add3A_98 : vector<384xi32> to vector<384x1xi32>
    %eq3A_101 = vector.broadcast %broadcast_in_dim3A_100 : vector<384x1xi32> to vector<384x32xi32>
    %eq3A_102 = arith.cmpi eq, %iota3A_99, %eq3A_101 : vector<384x32xi32>
    %convert_element_type3A = arith.extui %eq3A_102 : vector<384x32xi1> to vector<384x32xi32>
    %convert_element_type3A_103 = arith.sitofp %convert_element_type3A : vector<384x32xi32> to vector<384x32xf32>
    %convert_element_type3A_104 = arith.truncf %convert_element_type3A_103 : vector<384x32xf32> to vector<384x32xbf16>
    %add3A_105 = arith.addf %broadcast_in_dim3A_95, %convert_element_type3A_104 : vector<384x32xbf16>
    %add3A_106 = arith.constant 22 : i32
    %add3A_107 = vector.broadcast %add3A_106 : i32 to vector<384xi32>
    %add3A_108 = arith.addi %select_n3A_72, %add3A_107 : vector<384xi32>
    %iota3A_109 = tpu.iota {dimensions = array<i32: 1>} : vector<384x32xi32>
    %broadcast_in_dim3A_110 = vector.shape_cast %add3A_108 : vector<384xi32> to vector<384x1xi32>
    %eq3A_111 = vector.broadcast %broadcast_in_dim3A_110 : vector<384x1xi32> to vector<384x32xi32>
    %eq3A_112 = arith.cmpi eq, %iota3A_109, %eq3A_111 : vector<384x32xi32>
    %convert_element_type3A_113 = arith.extui %eq3A_112 : vector<384x32xi1> to vector<384x32xi32>
    %convert_element_type3A_114 = arith.sitofp %convert_element_type3A_113 : vector<384x32xi32> to vector<384x32xf32>
    %convert_element_type3A_115 = arith.truncf %convert_element_type3A_114 : vector<384x32xf32> to vector<384x32xbf16>
    %add3A_116 = arith.addf %add3A_105, %convert_element_type3A_115 : vector<384x32xbf16>
    %add3A_117 = arith.constant 28 : i32
    %add3A_118 = vector.broadcast %add3A_117 : i32 to vector<384xi32>
    %add3A_119 = arith.addi %select_n3A_94, %add3A_118 : vector<384xi32>
    %iota3A_120 = tpu.iota {dimensions = array<i32: 1>} : vector<384x32xi32>
    %broadcast_in_dim3A_121 = vector.shape_cast %add3A_119 : vector<384xi32> to vector<384x1xi32>
    %eq3A_122 = vector.broadcast %broadcast_in_dim3A_121 : vector<384x1xi32> to vector<384x32xi32>
    %eq3A_123 = arith.cmpi eq, %iota3A_120, %eq3A_122 : vector<384x32xi32>
    %convert_element_type3A_124 = arith.extui %eq3A_123 : vector<384x32xi1> to vector<384x32xi32>
    %convert_element_type3A_125 = arith.sitofp %convert_element_type3A_124 : vector<384x32xi32> to vector<384x32xf32>
    %convert_element_type3A_126 = arith.truncf %convert_element_type3A_125 : vector<384x32xf32> to vector<384x32xbf16>
    %add3A_127 = arith.addf %add3A_116, %convert_element_type3A_126 : vector<384x32xbf16>
    %get3A = arith.constant 0 : index
    %get3A_128 = arith.constant 0 : index
    %get3A_129 = vector.load %arg1[%get3A, %get3A_128] : memref<32x128xf32, #tpu.memory_space<vmem>>, vector<32x128xf32>
    %convert_element_type3A_130 = arith.truncf %get3A_129 : vector<32x128xf32> to vector<32x128xbf16>
    %dot_general3A = arith.constant dense<0.000000e+00> : vector<384x128xf32>
    %dot_general3A_131 = tpu.matmul %add3A_127, %convert_element_type3A_130, %dot_general3A {dimension_numbers = #tpu.dot_dimension_numbers<[1], [0], [0], [1], [0, 0, 1, 1], [], []>, transpose_lhs_hint = false} : vector<384x32xbf16>, vector<32x128xbf16>, vector<384x128xf32> -> vector<384x128xf32>
    %convert_element_type3A_132 = arith.truncf %dot_general3A_131 : vector<384x128xf32> to vector<384x128xbf16>
    %get3A_133 = arith.constant 0 : index
    %get3A_134 = arith.constant 0 : index
    %get3A_135 = vector.load %arg2[%get3A_133, %get3A_134] : memref<128x256xf32, #tpu.memory_space<vmem>>, vector<128x256xf32>
    %convert_element_type3A_136 = arith.truncf %get3A_135 : vector<128x256xf32> to vector<128x256xbf16>
    %dot_general3A_137 = arith.constant dense<0.000000e+00> : vector<384x256xf32>
    %dot_general3A_138 = tpu.matmul %convert_element_type3A_132, %convert_element_type3A_136, %dot_general3A_137 {dimension_numbers = #tpu.dot_dimension_numbers<[1], [0], [0], [1], [0, 0, 1, 1], [], []>, transpose_lhs_hint = false} : vector<384x128xbf16>, vector<128x256xbf16>, vector<384x256xf32> -> vector<384x256xf32>
    %get3A_139 = arith.constant 0 : index
    %get3A_140 = arith.constant 0 : index
    %get3A_141 = vector.load %arg3[%get3A_139, %get3A_140] : memref<1x256xf32, #tpu.memory_space<vmem>>, vector<1x256xf32>
    %add3A_142 = vector.broadcast %get3A_141 : vector<1x256xf32> to vector<384x256xf32>
    %add3A_143 = arith.addf %dot_general3A_138, %add3A_142 : vector<384x256xf32>
    %reduce_sum3A = arith.constant dense<0.000000e+00> : vector<384xf32>
    %reduce_sum3A_144 = vector.multi_reduction <add>, %add3A_143, %reduce_sum3A [1] : vector<384x256xf32> to vector<384xf32>
    %broadcast_in_dim3A_145 = vector.shape_cast %reduce_sum3A_144 : vector<384xf32> to vector<384x1xf32>
    %div3A_146 = arith.constant 2.560000e+02 : f32
    %div3A_147 = vector.broadcast %div3A_146 : f32 to vector<384x1xf32>
    %div3A_148 = arith.divf %broadcast_in_dim3A_145, %div3A_147 : vector<384x1xf32>
    %sub3A_149 = vector.broadcast %div3A_148 : vector<384x1xf32> to vector<384x256xf32>
    %sub3A_150 = arith.subf %add3A_143, %sub3A_149 : vector<384x256xf32>
    %integer_pow3A = arith.mulf %sub3A_150, %sub3A_150 : vector<384x256xf32>
    %reduce_sum3A_151 = arith.constant dense<0.000000e+00> : vector<384xf32>
    %reduce_sum3A_152 = vector.multi_reduction <add>, %integer_pow3A, %reduce_sum3A_151 [1] : vector<384x256xf32> to vector<384xf32>
    %broadcast_in_dim3A_153 = vector.shape_cast %reduce_sum3A_152 : vector<384xf32> to vector<384x1xf32>
    %div3A_154 = arith.constant 2.560000e+02 : f32
    %div3A_155 = vector.broadcast %div3A_154 : f32 to vector<384x1xf32>
    %div3A_156 = arith.divf %broadcast_in_dim3A_153, %div3A_155 : vector<384x1xf32>
    %sub3A_157 = vector.broadcast %div3A_148 : vector<384x1xf32> to vector<384x256xf32>
    %sub3A_158 = arith.subf %add3A_143, %sub3A_157 : vector<384x256xf32>
    %add3A_159 = arith.constant 9.99999974E-6 : f32
    %add3A_160 = vector.broadcast %add3A_159 : f32 to vector<384x1xf32>
    %add3A_161 = arith.addf %div3A_156, %add3A_160 : vector<384x1xf32>
    %rsqrt3A = math.rsqrt %add3A_161 : vector<384x1xf32>
    %mul3A = vector.broadcast %rsqrt3A : vector<384x1xf32> to vector<384x256xf32>
    %mul3A_162 = arith.mulf %sub3A_158, %mul3A : vector<384x256xf32>
    %get3A_163 = arith.constant 0 : index
    %get3A_164 = arith.constant 0 : index
    %get3A_165 = vector.load %arg4[%get3A_163, %get3A_164] : memref<1x256xf32, #tpu.memory_space<vmem>>, vector<1x256xf32>
    %mul3A_166 = vector.broadcast %get3A_165 : vector<1x256xf32> to vector<384x256xf32>
    %mul3A_167 = arith.mulf %mul3A_162, %mul3A_166 : vector<384x256xf32>
    %get3A_168 = arith.constant 0 : index
    %get3A_169 = arith.constant 0 : index
    %get3A_170 = vector.load %arg5[%get3A_168, %get3A_169] : memref<1x256xf32, #tpu.memory_space<vmem>>, vector<1x256xf32>
    %add3A_171 = vector.broadcast %get3A_170 : vector<1x256xf32> to vector<384x256xf32>
    %add3A_172 = arith.addf %mul3A_167, %add3A_171 : vector<384x256xf32>
    %integer_pow3A_173 = arith.mulf %add3A_172, %add3A_172 : vector<384x256xf32>
    %integer_pow3A_174 = arith.mulf %add3A_172, %integer_pow3A_173 : vector<384x256xf32>
    %mul3A_175 = arith.constant 4.471500e-02 : f32
    %mul3A_176 = vector.broadcast %mul3A_175 : f32 to vector<384x256xf32>
    %mul3A_177 = arith.mulf %mul3A_176, %integer_pow3A_174 : vector<384x256xf32>
    %add3A_178 = arith.addf %add3A_172, %mul3A_177 : vector<384x256xf32>
    %mul3A_179 = arith.constant 0.797884583 : f32
    %mul3A_180 = vector.broadcast %mul3A_179 : f32 to vector<384x256xf32>
    %mul3A_181 = arith.mulf %mul3A_180, %add3A_178 : vector<384x256xf32>
    %tanh3A = math.tanh %mul3A_181 : vector<384x256xf32>
    %add3A_182 = arith.constant 1.000000e+00 : f32
    %add3A_183 = vector.broadcast %add3A_182 : f32 to vector<384x256xf32>
    %add3A_184 = arith.addf %add3A_183, %tanh3A : vector<384x256xf32>
    %mul3A_185 = arith.constant 5.000000e-01 : f32
    %mul3A_186 = vector.broadcast %mul3A_185 : f32 to vector<384x256xf32>
    %mul3A_187 = arith.mulf %mul3A_186, %add3A_184 : vector<384x256xf32>
    %mul3A_188 = arith.mulf %add3A_172, %mul3A_187 : vector<384x256xf32>
    %convert_element_type3A_189 = arith.truncf %mul3A_188 : vector<384x256xf32> to vector<384x256xbf16>
    %get3A_190 = arith.constant 0 : index
    %get3A_191 = arith.constant 0 : index
    %get3A_192 = vector.load %arg6[%get3A_190, %get3A_191] : memref<256x128xf32, #tpu.memory_space<vmem>>, vector<256x128xf32>
    %convert_element_type3A_193 = arith.truncf %get3A_192 : vector<256x128xf32> to vector<256x128xbf16>
    %dot_general3A_194 = arith.constant dense<0.000000e+00> : vector<384x128xf32>
    %dot_general3A_195 = tpu.matmul %convert_element_type3A_189, %convert_element_type3A_193, %dot_general3A_194 {dimension_numbers = #tpu.dot_dimension_numbers<[1], [0], [0], [1], [0, 0, 1, 1], [], []>, transpose_lhs_hint = false} : vector<384x256xbf16>, vector<256x128xbf16>, vector<384x128xf32> -> vector<384x128xf32>
    %get3A_196 = arith.constant 0 : index
    %get3A_197 = arith.constant 0 : index
    %get3A_198 = vector.load %arg7[%get3A_196, %get3A_197] : memref<1x128xf32, #tpu.memory_space<vmem>>, vector<1x128xf32>
    %add3A_199 = vector.broadcast %get3A_198 : vector<1x128xf32> to vector<384x128xf32>
    %add3A_200 = arith.addf %dot_general3A_195, %add3A_199 : vector<384x128xf32>
    %reduce_sum3A_201 = arith.constant dense<0.000000e+00> : vector<384xf32>
    %reduce_sum3A_202 = vector.multi_reduction <add>, %add3A_200, %reduce_sum3A_201 [1] : vector<384x128xf32> to vector<384xf32>
    %broadcast_in_dim3A_203 = vector.shape_cast %reduce_sum3A_202 : vector<384xf32> to vector<384x1xf32>
    %div3A_204 = arith.constant 1.280000e+02 : f32
    %div3A_205 = vector.broadcast %div3A_204 : f32 to vector<384x1xf32>
    %div3A_206 = arith.divf %broadcast_in_dim3A_203, %div3A_205 : vector<384x1xf32>
    %sub3A_207 = vector.broadcast %div3A_206 : vector<384x1xf32> to vector<384x128xf32>
    %sub3A_208 = arith.subf %add3A_200, %sub3A_207 : vector<384x128xf32>
    %integer_pow3A_209 = arith.mulf %sub3A_208, %sub3A_208 : vector<384x128xf32>
    %reduce_sum3A_210 = arith.constant dense<0.000000e+00> : vector<384xf32>
    %reduce_sum3A_211 = vector.multi_reduction <add>, %integer_pow3A_209, %reduce_sum3A_210 [1] : vector<384x128xf32> to vector<384xf32>
    %broadcast_in_dim3A_212 = vector.shape_cast %reduce_sum3A_211 : vector<384xf32> to vector<384x1xf32>
    %div3A_213 = arith.constant 1.280000e+02 : f32
    %div3A_214 = vector.broadcast %div3A_213 : f32 to vector<384x1xf32>
    %div3A_215 = arith.divf %broadcast_in_dim3A_212, %div3A_214 : vector<384x1xf32>
    %sub3A_216 = vector.broadcast %div3A_206 : vector<384x1xf32> to vector<384x128xf32>
    %sub3A_217 = arith.subf %add3A_200, %sub3A_216 : vector<384x128xf32>
    %add3A_218 = arith.constant 9.99999974E-6 : f32
    %add3A_219 = vector.broadcast %add3A_218 : f32 to vector<384x1xf32>
    %add3A_220 = arith.addf %div3A_215, %add3A_219 : vector<384x1xf32>
    %rsqrt3A_221 = math.rsqrt %add3A_220 : vector<384x1xf32>
    %mul3A_222 = vector.broadcast %rsqrt3A_221 : vector<384x1xf32> to vector<384x128xf32>
    %mul3A_223 = arith.mulf %sub3A_217, %mul3A_222 : vector<384x128xf32>
    %get3A_224 = arith.constant 0 : index
    %get3A_225 = arith.constant 0 : index
    %get3A_226 = vector.load %arg8[%get3A_224, %get3A_225] : memref<1x128xf32, #tpu.memory_space<vmem>>, vector<1x128xf32>
    %mul3A_227 = vector.broadcast %get3A_226 : vector<1x128xf32> to vector<384x128xf32>
    %mul3A_228 = arith.mulf %mul3A_223, %mul3A_227 : vector<384x128xf32>
    %get3A_229 = arith.constant 0 : index
    %get3A_230 = arith.constant 0 : index
    %get3A_231 = vector.load %arg9[%get3A_229, %get3A_230] : memref<1x128xf32, #tpu.memory_space<vmem>>, vector<1x128xf32>
    %add3A_232 = vector.broadcast %get3A_231 : vector<1x128xf32> to vector<384x128xf32>
    %add3A_233 = arith.addf %mul3A_228, %add3A_232 : vector<384x128xf32>
    %swap3A = arith.constant 0 : index
    %swap3A_234 = arith.constant 0 : index
    %swap3A_235 = vector.load %arg10[%swap3A, %swap3A_234] : memref<384x128xf32, #tpu.memory_space<vmem>>, vector<384x128xf32>
    tpu.vector_store %arg10[%swap3A, %swap3A_234], %add3A_233 {strides = array<i32>} : memref<384x128xf32, #tpu.memory_space<vmem>>, vector<384x128xf32>,
    return
  }
  func.func @transform_0(%arg0: i32) -> (i32, i32) {
    %c0_i32 = arith.constant 0 : i32
    %c0_i32_0 = arith.constant 0 : i32
    %c0_i32_1 = arith.constant 0 : i32
    return %c0_i32, %c0_i32_0 : i32, i32
  }
  func.func @transform_1(%arg0: i32) -> (i32, i32) {
    %c0_i32 = arith.constant 0 : i32
    %c0_i32_0 = arith.constant 0 : i32
    %c0_i32_1 = arith.constant 0 : i32
    return %c0_i32, %c0_i32_0 : i32, i32
  }
  func.func @transform_2(%arg0: i32) -> (i32, i32) {
    %c0_i32 = arith.constant 0 : i32
    %c0_i32_0 = arith.constant 0 : i32
    %c0_i32_1 = arith.constant 0 : i32
    return %c0_i32, %c0_i32_0 : i32, i32
  }
  func.func @transform_3(%arg0: i32) -> (i32, i32) {
    %c0_i32 = arith.constant 0 : i32
    %c0_i32_0 = arith.constant 0 : i32
    %c0_i32_1 = arith.constant 0 : i32
    return %c0_i32, %c0_i32_0 : i32, i32
  }
  func.func @transform_4(%arg0: i32) -> (i32, i32) {
    %c0_i32 = arith.constant 0 : i32
    %c0_i32_0 = arith.constant 0 : i32
    %c0_i32_1 = arith.constant 0 : i32
    return %c0_i32, %c0_i32_0 : i32, i32
  }
  func.func @transform_5(%arg0: i32) -> (i32, i32) {
    %c0_i32 = arith.constant 0 : i32
    %c0_i32_0 = arith.constant 0 : i32
    %c0_i32_1 = arith.constant 0 : i32
    return %c0_i32, %c0_i32_0 : i32, i32
  }
  func.func @transform_6(%arg0: i32) -> (i32, i32) {
    %c0_i32 = arith.constant 0 : i32
    %c0_i32_0 = arith.constant 0 : i32
    %c0_i32_1 = arith.constant 0 : i32
    return %c0_i32, %c0_i32_0 : i32, i32
  }
  func.func @transform_7(%arg0: i32) -> (i32, i32) {
    %c0_i32 = arith.constant 0 : i32
    %c0_i32_0 = arith.constant 0 : i32
    %c0_i32_1 = arith.constant 0 : i32
    return %c0_i32, %c0_i32_0 : i32, i32
  }
  func.func @transform_8(%arg0: i32) -> (i32, i32) {
    %c0_i32 = arith.constant 0 : i32
    %c0_i32_0 = arith.constant 0 : i32
    %c0_i32_1 = arith.constant 0 : i32
    return %c0_i32, %c0_i32_0 : i32, i32
  }
  func.func @transform_9(%arg0: i32) -> (i32, i32) {
    %c0_i32 = arith.constant 0 : i32
    %c0_i32_0 = arith.constant 0 : i32
    %c0_i32_1 = arith.constant 0 : i32
    return %c0_i32, %c0_i32_0 : i32, i32
  }
}

module attributes {stable_mosaic.version = 14 : i64} {
  func.func @_atom_body(%arg0: i32, %arg1: memref<1000x9xi32, #tpu.memory_space<vmem>>, %arg2: memref<9x256xbf16, #tpu.memory_space<vmem>>, %arg3: memref<1x256xf32, #tpu.memory_space<vmem>>, %arg4: memref<256x512xf32, #tpu.memory_space<vmem>>, %arg5: memref<512x1024xf32, #tpu.memory_space<vmem>>, %arg6: memref<1x1024xf32, #tpu.memory_space<vmem>>, %arg7: memref<1x1024xf32, #tpu.memory_space<vmem>>, %arg8: memref<1x1024xf32, #tpu.memory_space<vmem>>, %arg9: memref<1024x512xf32, #tpu.memory_space<vmem>>, %arg10: memref<1x512xf32, #tpu.memory_space<vmem>>, %arg11: memref<1x512xf32, #tpu.memory_space<vmem>>, %arg12: memref<1x512xf32, #tpu.memory_space<vmem>>, %arg13: memref<1000x512xf32, #tpu.memory_space<vmem>>) attributes {dimension_semantics = [#tpu.dimension_semantics<parallel>], iteration_bounds = array<i64: 10>, scalar_prefetch = 0 : i64, scratch_operands = 0 : i64, tpu.core_type = #tpu.core_type<tc>, window_params = [{transform_indices = @transform_0, window_bounds = array<i64: 1000, 9>}, {pipeline_mode = #tpu.pipeline_mode<synchronous>, transform_indices = @transform_1, window_bounds = array<i64: 9, 256>}, {pipeline_mode = #tpu.pipeline_mode<synchronous>, transform_indices = @transform_2, window_bounds = array<i64: 1, 256>}, {pipeline_mode = #tpu.pipeline_mode<synchronous>, transform_indices = @transform_3, window_bounds = array<i64: 256, 512>}, {pipeline_mode = #tpu.pipeline_mode<synchronous>, transform_indices = @transform_4, window_bounds = array<i64: 512, 1024>}, {pipeline_mode = #tpu.pipeline_mode<synchronous>, transform_indices = @transform_5, window_bounds = array<i64: 1, 1024>}, {pipeline_mode = #tpu.pipeline_mode<synchronous>, transform_indices = @transform_6, window_bounds = array<i64: 1, 1024>}, {pipeline_mode = #tpu.pipeline_mode<synchronous>, transform_indices = @transform_7, window_bounds = array<i64: 1, 1024>}, {pipeline_mode = #tpu.pipeline_mode<synchronous>, transform_indices = @transform_8, window_bounds = array<i64: 1024, 512>}, {pipeline_mode = #tpu.pipeline_mode<synchronous>, transform_indices = @transform_9, window_bounds = array<i64: 1, 512>}, {pipeline_mode = #tpu.pipeline_mode<synchronous>, transform_indices = @transform_10, window_bounds = array<i64: 1, 512>}, {pipeline_mode = #tpu.pipeline_mode<synchronous>, transform_indices = @transform_11, window_bounds = array<i64: 1, 512>}, {transform_indices = @transform_12, window_bounds = array<i64: 1000, 512>}]} {
    %get3A = arith.constant 0 : index
    %get3A_0 = arith.constant 0 : index
    %get3A_1 = vector.load %arg1[%get3A, %get3A_0] : memref<1000x9xi32, #tpu.memory_space<vmem>>, vector<1000x9xi32>
    %convert_element_type3A = arith.sitofp %get3A_1 : vector<1000x9xi32> to vector<1000x9xbf16>
    %get3A_2 = arith.constant 0 : index
    %get3A_3 = arith.constant 0 : index
    %get3A_4 = vector.load %arg2[%get3A_2, %get3A_3] : memref<9x256xbf16, #tpu.memory_space<vmem>>, vector<9x256xbf16>
    %dot_general3A = arith.constant dense<0.000000e+00> : vector<1000x256xf32>
    %dot_general3A_5 = tpu.matmul %convert_element_type3A, %get3A_4, %dot_general3A {dimension_numbers = #tpu.dot_dimension_numbers<[1], [0], [0], [1], [0, 0, 1, 1], [], []>, transpose_lhs_hint = false} : vector<1000x9xbf16>, vector<9x256xbf16>, vector<1000x256xf32> -> vector<1000x256xf32>
    %get3A_6 = arith.constant 0 : index
    %get3A_7 = arith.constant 0 : index
    %get3A_8 = vector.load %arg3[%get3A_6, %get3A_7] : memref<1x256xf32, #tpu.memory_space<vmem>>, vector<1x256xf32>
    %eq3A = vector.broadcast %get3A_8 : vector<1x256xf32> to vector<1000x256xf32>
    %eq3A_9 = arith.cmpf oeq, %dot_general3A_5, %eq3A : vector<1000x256xf32>
    %convert_element_type3A_10 = arith.extui %eq3A_9 : vector<1000x256xi1> to vector<1000x256xi32>
    %convert_element_type3A_11 = arith.sitofp %convert_element_type3A_10 : vector<1000x256xi32> to vector<1000x256xf32>
    %convert_element_type3A_12 = arith.truncf %convert_element_type3A_11 : vector<1000x256xf32> to vector<1000x256xbf16>
    %get3A_13 = arith.constant 0 : index
    %get3A_14 = arith.constant 0 : index
    %get3A_15 = vector.load %arg4[%get3A_13, %get3A_14] : memref<256x512xf32, #tpu.memory_space<vmem>>, vector<256x512xf32>
    %convert_element_type3A_16 = arith.truncf %get3A_15 : vector<256x512xf32> to vector<256x512xbf16>
    %dot_general3A_17 = arith.constant dense<0.000000e+00> : vector<1000x512xf32>
    %dot_general3A_18 = tpu.matmul %convert_element_type3A_12, %convert_element_type3A_16, %dot_general3A_17 {dimension_numbers = #tpu.dot_dimension_numbers<[1], [0], [0], [1], [0, 0, 1, 1], [], []>, transpose_lhs_hint = false} : vector<1000x256xbf16>, vector<256x512xbf16>, vector<1000x512xf32> -> vector<1000x512xf32>
    %convert_element_type3A_19 = arith.truncf %dot_general3A_18 : vector<1000x512xf32> to vector<1000x512xbf16>
    %get3A_20 = arith.constant 0 : index
    %get3A_21 = arith.constant 0 : index
    %get3A_22 = vector.load %arg5[%get3A_20, %get3A_21] : memref<512x1024xf32, #tpu.memory_space<vmem>>, vector<512x1024xf32>
    %convert_element_type3A_23 = arith.truncf %get3A_22 : vector<512x1024xf32> to vector<512x1024xbf16>
    %dot_general3A_24 = arith.constant dense<0.000000e+00> : vector<1000x1024xf32>
    %dot_general3A_25 = tpu.matmul %convert_element_type3A_19, %convert_element_type3A_23, %dot_general3A_24 {dimension_numbers = #tpu.dot_dimension_numbers<[1], [0], [0], [1], [0, 0, 1, 1], [], []>, transpose_lhs_hint = false} : vector<1000x512xbf16>, vector<512x1024xbf16>, vector<1000x1024xf32> -> vector<1000x1024xf32>
    %get3A_26 = arith.constant 0 : index
    %get3A_27 = arith.constant 0 : index
    %get3A_28 = vector.load %arg6[%get3A_26, %get3A_27] : memref<1x1024xf32, #tpu.memory_space<vmem>>, vector<1x1024xf32>
    %add3A = vector.broadcast %get3A_28 : vector<1x1024xf32> to vector<1000x1024xf32>
    %add3A_29 = arith.addf %dot_general3A_25, %add3A : vector<1000x1024xf32>
    %reduce_sum3A = arith.constant dense<0.000000e+00> : vector<1000xf32>
    %reduce_sum3A_30 = vector.multi_reduction <add>, %add3A_29, %reduce_sum3A [1] : vector<1000x1024xf32> to vector<1000xf32>
    %broadcast_in_dim3A = vector.shape_cast %reduce_sum3A_30 : vector<1000xf32> to vector<1000x1xf32>
    %div3A = arith.constant 1.024000e+03 : f32
    %div3A_31 = vector.broadcast %div3A : f32 to vector<1000x1xf32>
    %div3A_32 = arith.divf %broadcast_in_dim3A, %div3A_31 : vector<1000x1xf32>
    %sub3A = vector.broadcast %div3A_32 : vector<1000x1xf32> to vector<1000x1024xf32>
    %sub3A_33 = arith.subf %add3A_29, %sub3A : vector<1000x1024xf32>
    %integer_pow3A = arith.mulf %sub3A_33, %sub3A_33 : vector<1000x1024xf32>
    %reduce_sum3A_34 = arith.constant dense<0.000000e+00> : vector<1000xf32>
    %reduce_sum3A_35 = vector.multi_reduction <add>, %integer_pow3A, %reduce_sum3A_34 [1] : vector<1000x1024xf32> to vector<1000xf32>
    %broadcast_in_dim3A_36 = vector.shape_cast %reduce_sum3A_35 : vector<1000xf32> to vector<1000x1xf32>
    %div3A_37 = arith.constant 1.024000e+03 : f32
    %div3A_38 = vector.broadcast %div3A_37 : f32 to vector<1000x1xf32>
    %div3A_39 = arith.divf %broadcast_in_dim3A_36, %div3A_38 : vector<1000x1xf32>
    %sub3A_40 = vector.broadcast %div3A_32 : vector<1000x1xf32> to vector<1000x1024xf32>
    %sub3A_41 = arith.subf %add3A_29, %sub3A_40 : vector<1000x1024xf32>
    %add3A_42 = arith.constant 9.99999974E-6 : f32
    %add3A_43 = vector.broadcast %add3A_42 : f32 to vector<1000x1xf32>
    %add3A_44 = arith.addf %div3A_39, %add3A_43 : vector<1000x1xf32>
    %rsqrt3A = math.rsqrt %add3A_44 : vector<1000x1xf32>
    %mul3A = vector.broadcast %rsqrt3A : vector<1000x1xf32> to vector<1000x1024xf32>
    %mul3A_45 = arith.mulf %sub3A_41, %mul3A : vector<1000x1024xf32>
    %get3A_46 = arith.constant 0 : index
    %get3A_47 = arith.constant 0 : index
    %get3A_48 = vector.load %arg7[%get3A_46, %get3A_47] : memref<1x1024xf32, #tpu.memory_space<vmem>>, vector<1x1024xf32>
    %mul3A_49 = vector.broadcast %get3A_48 : vector<1x1024xf32> to vector<1000x1024xf32>
    %mul3A_50 = arith.mulf %mul3A_45, %mul3A_49 : vector<1000x1024xf32>
    %get3A_51 = arith.constant 0 : index
    %get3A_52 = arith.constant 0 : index
    %get3A_53 = vector.load %arg8[%get3A_51, %get3A_52] : memref<1x1024xf32, #tpu.memory_space<vmem>>, vector<1x1024xf32>
    %add3A_54 = vector.broadcast %get3A_53 : vector<1x1024xf32> to vector<1000x1024xf32>
    %add3A_55 = arith.addf %mul3A_50, %add3A_54 : vector<1000x1024xf32>
    %integer_pow3A_56 = arith.mulf %add3A_55, %add3A_55 : vector<1000x1024xf32>
    %integer_pow3A_57 = arith.mulf %add3A_55, %integer_pow3A_56 : vector<1000x1024xf32>
    %mul3A_58 = arith.constant 4.471500e-02 : f32
    %mul3A_59 = vector.broadcast %mul3A_58 : f32 to vector<1000x1024xf32>
    %mul3A_60 = arith.mulf %mul3A_59, %integer_pow3A_57 : vector<1000x1024xf32>
    %add3A_61 = arith.addf %add3A_55, %mul3A_60 : vector<1000x1024xf32>
    %mul3A_62 = arith.constant 0.797884583 : f32
    %mul3A_63 = vector.broadcast %mul3A_62 : f32 to vector<1000x1024xf32>
    %mul3A_64 = arith.mulf %mul3A_63, %add3A_61 : vector<1000x1024xf32>
    %tanh3A = math.tanh %mul3A_64 : vector<1000x1024xf32>
    %add3A_65 = arith.constant 1.000000e+00 : f32
    %add3A_66 = vector.broadcast %add3A_65 : f32 to vector<1000x1024xf32>
    %add3A_67 = arith.addf %add3A_66, %tanh3A : vector<1000x1024xf32>
    %mul3A_68 = arith.constant 5.000000e-01 : f32
    %mul3A_69 = vector.broadcast %mul3A_68 : f32 to vector<1000x1024xf32>
    %mul3A_70 = arith.mulf %mul3A_69, %add3A_67 : vector<1000x1024xf32>
    %mul3A_71 = arith.mulf %add3A_55, %mul3A_70 : vector<1000x1024xf32>
    %convert_element_type3A_72 = arith.truncf %mul3A_71 : vector<1000x1024xf32> to vector<1000x1024xbf16>
    %get3A_73 = arith.constant 0 : index
    %get3A_74 = arith.constant 0 : index
    %get3A_75 = vector.load %arg9[%get3A_73, %get3A_74] : memref<1024x512xf32, #tpu.memory_space<vmem>>, vector<1024x512xf32>
    %convert_element_type3A_76 = arith.truncf %get3A_75 : vector<1024x512xf32> to vector<1024x512xbf16>
    %dot_general3A_77 = arith.constant dense<0.000000e+00> : vector<1000x512xf32>
    %dot_general3A_78 = tpu.matmul %convert_element_type3A_72, %convert_element_type3A_76, %dot_general3A_77 {dimension_numbers = #tpu.dot_dimension_numbers<[1], [0], [0], [1], [0, 0, 1, 1], [], []>, transpose_lhs_hint = false} : vector<1000x1024xbf16>, vector<1024x512xbf16>, vector<1000x512xf32> -> vector<1000x512xf32>
    %get3A_79 = arith.constant 0 : index
    %get3A_80 = arith.constant 0 : index
    %get3A_81 = vector.load %arg10[%get3A_79, %get3A_80] : memref<1x512xf32, #tpu.memory_space<vmem>>, vector<1x512xf32>
    %add3A_82 = vector.broadcast %get3A_81 : vector<1x512xf32> to vector<1000x512xf32>
    %add3A_83 = arith.addf %dot_general3A_78, %add3A_82 : vector<1000x512xf32>
    %reduce_sum3A_84 = arith.constant dense<0.000000e+00> : vector<1000xf32>
    %reduce_sum3A_85 = vector.multi_reduction <add>, %add3A_83, %reduce_sum3A_84 [1] : vector<1000x512xf32> to vector<1000xf32>
    %broadcast_in_dim3A_86 = vector.shape_cast %reduce_sum3A_85 : vector<1000xf32> to vector<1000x1xf32>
    %div3A_87 = arith.constant 5.120000e+02 : f32
    %div3A_88 = vector.broadcast %div3A_87 : f32 to vector<1000x1xf32>
    %div3A_89 = arith.divf %broadcast_in_dim3A_86, %div3A_88 : vector<1000x1xf32>
    %sub3A_90 = vector.broadcast %div3A_89 : vector<1000x1xf32> to vector<1000x512xf32>
    %sub3A_91 = arith.subf %add3A_83, %sub3A_90 : vector<1000x512xf32>
    %integer_pow3A_92 = arith.mulf %sub3A_91, %sub3A_91 : vector<1000x512xf32>
    %reduce_sum3A_93 = arith.constant dense<0.000000e+00> : vector<1000xf32>
    %reduce_sum3A_94 = vector.multi_reduction <add>, %integer_pow3A_92, %reduce_sum3A_93 [1] : vector<1000x512xf32> to vector<1000xf32>
    %broadcast_in_dim3A_95 = vector.shape_cast %reduce_sum3A_94 : vector<1000xf32> to vector<1000x1xf32>
    %div3A_96 = arith.constant 5.120000e+02 : f32
    %div3A_97 = vector.broadcast %div3A_96 : f32 to vector<1000x1xf32>
    %div3A_98 = arith.divf %broadcast_in_dim3A_95, %div3A_97 : vector<1000x1xf32>
    %sub3A_99 = vector.broadcast %div3A_89 : vector<1000x1xf32> to vector<1000x512xf32>
    %sub3A_100 = arith.subf %add3A_83, %sub3A_99 : vector<1000x512xf32>
    %add3A_101 = arith.constant 9.99999974E-6 : f32
    %add3A_102 = vector.broadcast %add3A_101 : f32 to vector<1000x1xf32>
    %add3A_103 = arith.addf %div3A_98, %add3A_102 : vector<1000x1xf32>
    %rsqrt3A_104 = math.rsqrt %add3A_103 : vector<1000x1xf32>
    %mul3A_105 = vector.broadcast %rsqrt3A_104 : vector<1000x1xf32> to vector<1000x512xf32>
    %mul3A_106 = arith.mulf %sub3A_100, %mul3A_105 : vector<1000x512xf32>
    %get3A_107 = arith.constant 0 : index
    %get3A_108 = arith.constant 0 : index
    %get3A_109 = vector.load %arg11[%get3A_107, %get3A_108] : memref<1x512xf32, #tpu.memory_space<vmem>>, vector<1x512xf32>
    %mul3A_110 = vector.broadcast %get3A_109 : vector<1x512xf32> to vector<1000x512xf32>
    %mul3A_111 = arith.mulf %mul3A_106, %mul3A_110 : vector<1000x512xf32>
    %get3A_112 = arith.constant 0 : index
    %get3A_113 = arith.constant 0 : index
    %get3A_114 = vector.load %arg12[%get3A_112, %get3A_113] : memref<1x512xf32, #tpu.memory_space<vmem>>, vector<1x512xf32>
    %add3A_115 = vector.broadcast %get3A_114 : vector<1x512xf32> to vector<1000x512xf32>
    %add3A_116 = arith.addf %mul3A_111, %add3A_115 : vector<1000x512xf32>
    %swap3A = arith.constant 0 : index
    %swap3A_117 = arith.constant 0 : index
    %swap3A_118 = vector.load %arg13[%swap3A, %swap3A_117] : memref<1000x512xf32, #tpu.memory_space<vmem>>, vector<1000x512xf32>
    tpu.vector_store %arg13[%swap3A, %swap3A_117], %add3A_116 {strides = array<i32>} : memref<1000x512xf32, #tpu.memory_space<vmem>>, vector<1000x512xf32>,
    return
  }
  func.func @transform_0(%arg0: i32) -> (i32, i32) {
    %c0_i32 = arith.constant 0 : i32
    %c0_i32_0 = arith.constant 0 : i32
    return %arg0, %c0_i32 : i32, i32
  }
  func.func @transform_1(%arg0: i32) -> (i32, i32) {
    %c0_i32 = arith.constant 0 : i32
    %c0_i32_0 = arith.constant 0 : i32
    %c0_i32_1 = arith.constant 0 : i32
    return %c0_i32, %c0_i32_0 : i32, i32
  }
  func.func @transform_2(%arg0: i32) -> (i32, i32) {
    %c0_i32 = arith.constant 0 : i32
    %c0_i32_0 = arith.constant 0 : i32
    %c0_i32_1 = arith.constant 0 : i32
    return %c0_i32, %c0_i32_0 : i32, i32
  }
  func.func @transform_3(%arg0: i32) -> (i32, i32) {
    %c0_i32 = arith.constant 0 : i32
    %c0_i32_0 = arith.constant 0 : i32
    %c0_i32_1 = arith.constant 0 : i32
    return %c0_i32, %c0_i32_0 : i32, i32
  }
  func.func @transform_4(%arg0: i32) -> (i32, i32) {
    %c0_i32 = arith.constant 0 : i32
    %c0_i32_0 = arith.constant 0 : i32
    %c0_i32_1 = arith.constant 0 : i32
    return %c0_i32, %c0_i32_0 : i32, i32
  }
  func.func @transform_5(%arg0: i32) -> (i32, i32) {
    %c0_i32 = arith.constant 0 : i32
    %c0_i32_0 = arith.constant 0 : i32
    %c0_i32_1 = arith.constant 0 : i32
    return %c0_i32, %c0_i32_0 : i32, i32
  }
  func.func @transform_6(%arg0: i32) -> (i32, i32) {
    %c0_i32 = arith.constant 0 : i32
    %c0_i32_0 = arith.constant 0 : i32
    %c0_i32_1 = arith.constant 0 : i32
    return %c0_i32, %c0_i32_0 : i32, i32
  }
  func.func @transform_7(%arg0: i32) -> (i32, i32) {
    %c0_i32 = arith.constant 0 : i32
    %c0_i32_0 = arith.constant 0 : i32
    %c0_i32_1 = arith.constant 0 : i32
    return %c0_i32, %c0_i32_0 : i32, i32
  }
  func.func @transform_8(%arg0: i32) -> (i32, i32) {
    %c0_i32 = arith.constant 0 : i32
    %c0_i32_0 = arith.constant 0 : i32
    %c0_i32_1 = arith.constant 0 : i32
    return %c0_i32, %c0_i32_0 : i32, i32
  }
  func.func @transform_9(%arg0: i32) -> (i32, i32) {
    %c0_i32 = arith.constant 0 : i32
    %c0_i32_0 = arith.constant 0 : i32
    %c0_i32_1 = arith.constant 0 : i32
    return %c0_i32, %c0_i32_0 : i32, i32
  }
  func.func @transform_10(%arg0: i32) -> (i32, i32) {
    %c0_i32 = arith.constant 0 : i32
    %c0_i32_0 = arith.constant 0 : i32
    %c0_i32_1 = arith.constant 0 : i32
    return %c0_i32, %c0_i32_0 : i32, i32
  }
  func.func @transform_11(%arg0: i32) -> (i32, i32) {
    %c0_i32 = arith.constant 0 : i32
    %c0_i32_0 = arith.constant 0 : i32
    %c0_i32_1 = arith.constant 0 : i32
    return %c0_i32, %c0_i32_0 : i32, i32
  }
  func.func @transform_12(%arg0: i32) -> (i32, i32) {
    %c0_i32 = arith.constant 0 : i32
    %c0_i32_0 = arith.constant 0 : i32
    return %arg0, %c0_i32 : i32, i32
  }
}

</mosaic_0001>

<sc_bundles>
// kernel: kernel.5.cloned.1.call-start
scs
__scs_entry_jumppad:
0x0: {  	(pc) =	sbr.rel $0x88, $3  }
0x1: {  	(tag) =	ssettag $0x0;
	lr =	simm.s32 $0x1  }
0x2: {  	[smem:$0x3F83] =	sst lr;
	_ =	strace $0xD0000000  }
0x3: {  	_ = 	snop  }
0x4: {  	_ = 	snop  }
0x5: {  	_ = 	snop  }
0x6: {  	_ = 	snop  }
0x7: {  	_ = 	snop  }
__scs_overlays_trampoline_lowered:
0x8: {  	[smem:$0x3F92] =	sst s0  }
0x9: {  	[smem:$0x3F93] =	sst s1  }
0xa: {  	[smem:$0x3F94] =	sst s2  }
0xb: {  	[smem:$0x3F95] =	sst s3  }
0xc: {  	[smem:$0x3F96] =	sst s4  }
0xd: {  	[smem:$0x3F97] =	sst s5  }
0xe: {  	[smem:$0x3F98] =	sst s6  }
0xf: {  	[smem:$0x3F99] =	sst s7  }
0x10: {  	[smem:$0x3F9A] =	sst s8  }
0x11: {  	[smem:$0x3F9B] =	sst s9;
	s0 =	simm.s32 @!p0 $0x0  }
0x12: {  	s1 =	sld [smem:$0x3F81];
	s0 =	simm.s32 @p0 $0x1  }
0x13: {  	[smem:$0x3F9C] =	sst s0;
	s0 =	simm.s32 @!p1 $0x0  }
0x14: {  	s2 =	sld [smem:$0x3F80];
	s0 =	simm.s32 @p1 $0x1  }
0x15: {  	[smem:$0x3F9D] =	sst s0;
	s0 =	simm.s32 @!p2 $0x0  }
0x16: {  	s3 =	sld [smem:$0x3FDB];
	s0 =	simm.s32 @p2 $0x1  }
0x17: {  	s4 =	simm.s32 $0x1BF5;
	[smem:$0x3F9F] =	sst s0  }
0x18: {  	s0 =	sld [smem:$0x3F82];
	_ =	swait.ge [sflag:s4], $0x0  }
0x19: {  	s7 =	sld [smem:$0x3F83]  }
0x1a: {  	s8 =	sadd.s32 $0xFFFFE003, lr  }
0x1b: {  	s9 =	sadd.s32 $0xFFFFFEF7, lr;
	s5 =	simm.s32 $0xFFFFFFFF;
	p2 =	slt.u32 s8, $0xFFFFF086  }
0x1c: {  	p1 =	slt.u32 s9, $0xF7A;
	s5 =	simm.s32 @!p2 $0x0  }
0x1d: {  	s5 =	simm.s32 @p1 $0x1;
	p0 =	seq.s32 s7, s2  }
0x1e: {  	s7 =	smul.u32 @!p0 $0xF7A, s2;
	p2 =	seq.s32 @!p0 s5, $0x0  }
0x1f: {  	s9 =	smul.u32 $0xF7A, s1;
	s8 =	simm.s32 @!p0 $0x1BF5;
	p2 =	por !p2, p0  }
0x20: {  	[sflag:s8] =	ssyncset.s32 @!p0 $0xFFFFF086;
	s6 =	sadd.s32 @!p0 s3, s7;
	s7 =	simm.s32 @!p0 $0x108  }
0x21: {  	s3 =	sadd.s32 s3, s9;
	s6 =	sadd.s32 @!p0 $0x88, s6;
	s7 =	simm.s32 @p2 $0x1082  }
0x22: {  	[simem:s7], [sflag:s8] =	dma.local @!p0 [hbm:s6], $0xF7A  }
0x23: {  	s9 =	sor.u32 $0xD0000000, s2;
	s6 =	simm.s32 $0x108;
	_ =	swait.ge @!p0 [sflag:s8], $0x0  }
0x24: {  	s3 =	sadd.s32 $0x88, s3;
	s6 =	simm.s32 @!p1 $0x1082;
	[sflag:s4] =	ssyncset.s32 $0xFFFFF086  }
0x25: {  	[simem:s6], [sflag:s4] =	dma.local [hbm:s3], $0xF7A  }
0x26: {  	[smem:$0x3F83] =	sst s1;
	(tag) =	ssettag s2;
	_ =	strace s9  }
0x27: {  	s1 =	sld [smem:$0x3F93]  }
0x28: {  	s2 =	sld [smem:$0x3F94]  }
0x29: {  	s4 =	sld [smem:$0x3F96]  }
0x2a: {  	p0 =	seq.s32 s5, $0x0;
	s5 =	sld [smem:$0x3F97]  }
0x2b: {  	s6 =	sld [smem:$0x3F98]  }
0x2c: {  	s7 =	sld [smem:$0x3F99]  }
0x2d: {  	s3 =	simm.s32 $0x108;
	s8 =	sld [smem:$0x3F9A]  }
0x2e: {  	s3 =	simm.s32 @!p0 $0x1082;
	s9 =	sld [smem:$0x3F9B]  }
0x2f: {  	lr =	sadd.s32 s0, s3;
	s0 =	sld [smem:$0x3F92]  }
0x30: {  	s3 =	sld [smem:$0x3F95]  }
0x31: {  	[smem:$0x3F9E] =	sst s10  }
0x32: {  	s10 =	sld [smem:$0x3F9C];
	_ =	sdelay $0x3  }
0x33: {  	p0 =	seq.s32 s10, $0x1;
	s10 =	sld [smem:$0x3F9E];
	_ =	sdelay $0x3  }
0x34: {  	[smem:$0x3F9E] =	sst s10  }
0x35: {  	s10 =	sld [smem:$0x3F9D];
	_ =	sdelay $0x3  }
0x36: {  	p1 =	seq.s32 s10, $0x1;
	s10 =	sld [smem:$0x3F9E];
	_ =	sdelay $0x3  }
0x37: {  	[smem:$0x3F9E] =	sst s10  }
0x38: {  	s10 =	sld [smem:$0x3F9F]  }
0x39: {  	_ = 	snop;
	(pc) =	sbr.ind lr, $3  }
0x3a: {  	_ = 	snop  }
0x3b: {  	_ = 	snop  }
0x3c: {  	p2 =	seq.s32 s10, $0x1;
	s10 =	sld [smem:$0x3F9E]  }
0x3d: {  	_ =	shalt  }
0x3e: {  	_ =	shalt  }
0x3f: {  	_ =	shalt  }
0x40: {  	_ =	shalt  }
0x41: {  	_ =	shalt  }
0x42: {  	_ =	shalt  }
0x43: {  	_ =	shalt  }
0x44: {  	_ =	shalt  }
0x45: {  	_ =	shalt  }
0x46: {  	_ =	shalt  }
0x47: {  	_ =	shalt  }
0x48: {  	_ =	shalt  }
0x49: {  	_ =	shalt  }
0x4a: {  	_ =	shalt  }
0x4b: {  	_ =	shalt  }
0x4c: {  	_ =	shalt  }
0x4d: {  	_ =	shalt  }
0x4e: {  	_ =	shalt  }
0x4f: {  	_ =	shalt  }
0x50: {  	_ =	shalt  }
0x51: {  	_ =	shalt  }
0x52: {  	_ =	shalt  }
0x53: {  	_ =	shalt  }
0x54: {  	_ =	shalt  }
0x55: {  	_ =	shalt  }
0x56: {  	_ =	shalt  }
0x57: {  	_ =	shalt  }
0x58: {  	_ =	shalt  }
0x59: {  	_ =	shalt  }
0x5a: {  	_ =	shalt  }
0x5b: {  	_ =	shalt  }
0x5c: {  	_ =	shalt  }
0x5d: {  	_ =	shalt  }
0x5e: {  	_ =	shalt  }
0x5f: {  	_ =	shalt  }
0x60: {  	_ =	shalt  }
0x61: {  	_ =	shalt  }
0x62: {  	_ =	shalt  }
0x63: {  	_ =	shalt  }
0x64: {  	_ =	shalt  }
0x65: {  	_ =	shalt  }
0x66: {  	_ =	shalt  }
0x67: {  	_ =	shalt  }
0x68: {  	_ =	shalt  }
0x69: {  	_ =	shalt  }
0x6a: {  	_ =	shalt  }
0x6b: {  	_ =	shalt  }
0x6c: {  	_ =	shalt  }
0x6d: {  	_ =	shalt  }
0x6e: {  	_ =	shalt  }
0x6f: {  	_ =	shalt  }
0x70: {  	_ =	shalt  }
0x71: {  	_ =	shalt  }
0x72: {  	_ =	shalt  }
0x73: {  	_ =	shalt  }
0x74: {  	_ =	shalt  }
0x75: {  	_ =	shalt  }
0x76: {  	_ =	shalt  }
0x77: {  	_ =	shalt  }
0x78: {  	_ =	shalt  }
0x79: {  	_ =	shalt  }
0x7a: {  	_ =	shalt  }
0x7b: {  	_ =	shalt  }
0x7c: {  	_ =	shalt  }
0x7d: {  	_ =	shalt  }
0x7e: {  	_ =	shalt  }
0x7f: {  	_ =	shalt  }
0x80: {  	_ =	shalt  }
0x81: {  	_ =	shalt  }
0x82: {  	_ =	shalt  }
0x83: {  	_ =	shalt  }
0x84: {  	_ =	shalt  }
0x85: {  	_ =	shalt  }
0x86: {  	_ =	shalt  }
0x87: {  	_ =	shalt  }
.Lfunc_end0:
.L_simem_size_0:
called_computation_lowered:
.L_overlay_start_0:
0x88: {  	s2 =	sld [smem:$0x3FD9]  }
0x89: {  	s3 =	sld [smem:$0x3FFE];
	_ =	sdelay $0x1  }
0x8a: {  	s1 =	srdreg.scid  }
0x8b: {  	s0 =	sand.u32 $0x1, s1  }
0x8c: {  	s14 =	sshll.u32 s0, $0xA;
	s2 =	sadd.s32 s3, s2  }
0x8d: {  	s2 =	sadd.s32 s2, s14  }
0x8e: {  	[smem:$0x3FAA] =	sst s2  }
0x8f: {  	_ = 	snop  }
0x90: {  	s2 =	sld [smem:$0x3FD0];
	_ =	sdelay $0x2  }
0x91: {  	s15 =	simm.s32 $0xA;
	s4 =	simm.s32 $0x10  }
0x92: {  	[smem:s4], [sflag:s15] =	dma.local [hbm:s2], $0x1  }
0x93: {  	_ =	swait.eq [sflag:s15], $0x1  }
0x94: {  	[sflag:s15] =	ssyncset.done $0x0  }
0x95: {  	[sflag:s15] =	ssyncadd.s32 $0xFFFFFFFF  }
0x96: {  	s16 =	sld [smem:$0x11];
	(tm) =	ssettm $0x1  }
0x97: {  	s17 =	sld [smem:$0x3FFB];
	_ =	sdelay $0x3  }
0x98: {  	_ =	strace s17  }
0x99: {  	s3 =	sld [smem:$0x3FFC];
	_ =	sdelay $0x3  }
0x9a: {  	_ =	strace s3  }
0x9b: {  	s3 =	sld [smem:$0x3FFD];
	_ =	sdelay $0x3  }
0x9c: {  	_ =	strace s3  }
0x9d: {  	_ =	strace $0x8FFFFFFF  }
0x9e: {  	s18 =	sld [smem:$0x3FDB];
	_ =	sdelay $0x1  }
0x9f: {  	s19 =	simm.s32 $_scs_section_size  }
0xa0: {  	s5 =	simm.s32 $_size__tile_overlayer_lowered;
	s6 =	simm.s32 $_tile_overlayer_lowered  }
0xa1: {  	s22 =	simm.s32 $0x1BFF;
	s21 =	sshll.u32 s6, $0x1;
	s3 =	sadd.s32 s19, s18  }
0xa2: {  	s7 =	simm.s32 $0x0;
	s20 =	sshll.u32 s5, $0x1;
	s5 =	sadd.s32 s21, s3  }
0xa3: {  	[timem:s7], [sflag:s22] =	dma.local [hbm:s5], s20  }
0xa4: {  	_ =	swait.ge [sflag:s22], s20  }
0xa5: {  	s4 =	ssub.s32 $0x0, s20;
	[sflag:s22] =	ssyncset.done $0x0  }
0xa6: {  	[sflag:s22] =	ssyncadd.s32 s4;
	_ =	sdelay $0x1  }
0xa7: {  	s23 =	simm.s32 $0x1B8B  }
0xa8: {  	_ =	swait.ge [sflag:s23], $0x1  }
0xa9: {  	[sflag:s23] =	ssyncset.done $0x0  }
0xaa: {  	s25 =	simm.s32 $0x1B8E;
	s24 =	sld [smem:$0x3FFE];
	[sflag:s23] =	ssyncadd.s32 $0xFFFFFFFF  }
0xab: {  	s26 =	simm.s32 $execute0_lowered;
	[smem:$0x3FD2] =	sst s25  }
0xac: {  	s5 =	sshll.u32 s26, $0x1;
	_ =	strace $0x80000046;
	[dreg:$0x1] =	wrdreg $0xFFFFFFFF  }
0xad: {  	s28 =	simm.s32 $_size_execute0_lowered;
	s3 =	sadd.s32 s3, s5;
	[dreg:$0x0] =	wrdreg $0x0  }
0xae: {  	s5 =	sshll.u32 s28, $0x1;
	[dreg:$0x2] =	wrdreg s3  }
0xaf: {  	[dreg:$0x3] =	wrdreg s5  }
0xb0: {  	[dreg:$0x4] =	wrdreg $0xC0  }
0xb1: {  	_ =	task [dreg:s7], $0x5FFFF  }
0xb2: {  	[dreg:$0x1] =	wrdreg $0xFFFFFFFF  }
0xb3: {  	[dreg:$0x0] =	wrdreg $0x60  }
0xb4: {  	[dreg:$0x2] =	wrdreg s24  }
0xb5: {  	[dreg:$0x3] =	wrdreg s16  }
0xb6: {  	[dreg:$0x4] =	wrdreg $0x1AF900  }
0xb7: {  	[dreg:$0x5] =	wrdreg $0x9  }
0xb8: {  	_ =	task.clear_ibuf [dreg:s7], $0x6FFFF;
	_ =	strace $0x90000046  }
0xb9: {  	s29 =	simm.s32 $0x9;
	_ =	strace $0x80000048  }
0xba: {  	_ =	swait.ge [sflag:s29], $0x1  }
0xbb: {  	[sflag:s29] =	ssyncadd.s32 $0xFFFFFFFF  }
0xbc: {  	_ =	strace $0x90000048  }
0xbd: {  	_ =	sfence  }
0xbe: {  	s30 =	sld [smem:$0x0];
	_ =	sdelay $0x2  }
0xbf: {  	s31 =	sshll.u32 s1, $0xD;
	s1 =	sshrl.u32 s1, $0x2  }
0xc0: {  	s3 =	sand.u32 $0x4000, s31;
	s1 =	sadd.s32 s1, s30  }
0xc1: {  	s0 =	sor.u32 s3, s0;
	s1 =	sshll.u32 s1, $0x11  }
0xc2: {  	s0 =	sor.u32 s1, s0  }
0xc3: {  	s0 =	sadd.s32 $0x8F2B, s0  }
0xc4: {  	[sflag:s0] =	ssyncadd.remote.s32 $0x1  }
0xc5: {  	_ =	sfence.sel $0xFFFF  }
0xc6: {  	[dreg:$0x0] =	wrdreg $0xFFFFFFFF;
	(pc) =	sbr.abs _section_cstart, $3  }
0xc7: {  	[dreg:$0x1] =	wrdreg $0xFFFFFFFF  }
0xc8: {  	_ =	task.clear_ibuf [dreg:s7], $0x2FFFF;
	_ =	strace $0x9FFFFFFF  }
0xc9: {  	(tm) =	ssettm $0x7FFFFFFF  }
tec
execute0_lowered:
.L_overlay_start_1:
0x0: {  	(tag) =	ssettag $0x1  }
0x1: {  	s0 =	rddreg [dreg:$0x0]  }
0x2: {  	s3 =	rddreg [dreg:$0x1]  }
0x3: {  	s1 =	rddreg [dreg:$0x2]  }
0x4: {  	s4 =	srdreg.scid;
	s5 =	stileid.u32;
	s2 =	simm.s32 $0x0  }
0x5: {  	s28 =	simm.s32 $0x1;
	s29 =	simm.s32 $0x2;
	s10 =	smul.u32 $0x4E20, s5  }
0x6: {  	s30 =	simm.s32 $0x3;
	s4 =	sand.u32 $0x1, s4;
	s14 =	smul.u32 $0x4E200, s5  }
0x7: {  	s31 =	simm.s32 $0x4;
	s6 =	sshll.u32 s5, $0x1;
	s19 =	smul.u32 $0x2710, s4  }
0x8: {  	[smem:$0x7FF] =	sst s2;
	s6 =	sor.u32 s4, s6;
	s26 =	smul.u32 $0x27100, s4  }
0x9: {  	s8 =	sadd.s32 $0x4400, s0;
	p0 =	sne.s32 s5, $0x0;
	s7 =	smul.u32 $0x2710, s6  }
0xa: {  	_ =	strace $0x80000047;
	[dreg:$0x4] =	wrdreg s8;
	s17 =	smul.u32 $0x138800, s6  }
0xb: {  	s18 =	ssub.s32 $0x2, s4;
	s16 =	sshrl.u32 @!p0 s1, $0x3;
	s6 =	smul.u32 $0x27100, s6  }
0xc: {  	s9 =	sshrl.u32 s18, $0x1;
	s24 =	sadd.s32 s19, s10;
	s19 =	simm.s32 $0x13880  }
0xd: {  	s0 =	sadd.s32 s7, s0;
	s8 =	sshrl.u32 s17, $0x3;
	s7 =	ssub.s32 s18, s9  }
0xe: {  	s23 =	sadd.s32 s3, s6;
	s6 =	sshll.u32 s24, $0x4;
	s17 =	simm.s32 $0x9  }
0xf: {  	s18 =	simm.s32 $0x28;
	s24 =	simm.s32 $0x18790;
	s8 =	sadd.s32 s3, s8  }
0x10: {  	s0 =	sadd.s32 $0x4E6400, s0;
	s22 =	smax.u32 s7, $0x1;
	s25 =	sadd.s32 $0x26200, s23  }
0x11: {  	s9 =	sadd.s32 $0x26480, s23;
	s10 =	sadd.s32 $0x26700, s23;
	s6 =	sadd.s32 s3, s6  }
0x12: {  	s11 =	sadd.s32 $0x26980, s23;
	s3 =	sadd.s32 s14, s3;
	[dreg:$0x5] =	wrdreg s0  }
0x13: {  	s23 =	simm.s32 $0x7;
	s20 =	sadd.s32 $0x26C00, s8;
	[dreg:$0x8] =	wrdreg s22  }
0x14: {  	s21 =	sadd.s32 $0x26E80, s8;
	[dreg:$0x9] =	wrdreg s25;
	s12 =	sadd.s32 $0x780, s6  }
0x15: {  	s13 =	sadd.s32 $0x500, s6;
	s14 =	sadd.s32 $0x280, s6;
	s15 =	sadd.s32 s26, s3  }
0x16: {  	s22 =	simm.s32 $0x17390;
	s26 =	simm.s32 $0x19B90;
	s0 =	simm.s32 $0x5  }
0x17: {  	v0 =	vlaneseq.u32;
	s25 =	simm.s32 $0x8;
	s3 =	simm.s32 $0x0;
	[dreg:$0x6] =	wrdreg s20  }
0x18: {  	v0 =	vmul.u32 $0x8, v0;
	[dreg:$0x7] =	wrdreg s21;
	s20 =	simm.s32 $0x15F90;
	s21 =	simm.s32 $0x6  }
.LBB2_1:
0x19: {  	s4 =	simm.s32 @!p0 $0x1C09;
	s5 =	rddreg [dreg:$0x4]  }
0x1a: {  	[spmem:s16], [sflag:s4] =	dma.local @!p0 [hbm:s5], $0x1800  }
0x1b: {  	s4 =	simm.s32 @!p0 $0x9  }
0x1c: {  	_ =	swait.ge @!p0 [sflag:s4], $0x1800  }
0x1d: {  	v1 =	vmov s2;
	[sflag:s4] =	ssyncset.done @!p0 $0x0  }
0x1e: {  	v1 =	vshll.u32 v1, $0x3;
	s6 =	rddreg [dreg:$0x5];
	[sflag:s4] =	ssyncadd.s32 @!p0 $0xFFFFE800  }
0x1f: {  	v1 =	vor.u32 v0, v1;
	[tilespmem:s2], [sflag:$0x9] =	stream.linear.gather [hbm4b:s6+s2], $0x13880, $0x38;
	[tilespmem:$0x1BB90] =	vst v63  }
0x20: {  	v2 =	vor.u32 $0x1, v1;
	_ =	swait.ge [sflag:s17], $0x13880  }
0x21: {  	[sflag:s17] =	ssyncset.done $0x0  }
0x22: {  	v3 =	vor.u32 $0x2, v1;
	[sflag:s17] =	ssyncadd.s32 $0xFFFEC780  }
0x23: {  	[bflag:$0x0] =	sbarrier.arrive $0xFFFF  }
0x24: {  	v1 =	vld.idx.msk [tilespmem:v1+s2+$0x0], $0xffff  }
0x25: {  	v2 =	vld.idx.msk [tilespmem:v2+s2+$0x0], $0xffff  }
0x26: {  	s7 =	simm.s32 $0x10  }
0x27: {  	v4 =	vmov s7;
	v3 =	vld.idx.msk [tilespmem:v3+s2+$0x0], $0xffff  }
0x28: {  	v4 =	vshll.u32 v4, $0x3  }
0x29: {  	v4 =	vor.u32 v0, v4;
	v1 =	vmul.u32 $0xC, v1  }
0x2a: {  	v5 =	vor.u32 $0x1, v4;
	v2 =	vshll.u32 v2, $0x1  }
0x2b: {  	v1 =	vadd.s32 v1, v2  }
0x2c: {  	v6 =	vor.u32 $0x2, v4;
	v1 =	vadd.s32 v3, v1  }
0x2d: {  	[tilespmem:s19+$0x0] =	vst v1  }
0x2e: {  	v3 =	vld.idx.msk [tilespmem:v4+s2+$0x0], $0xffff  }
0x2f: {  	v2 =	vld.idx.msk [tilespmem:v5+s2+$0x0], $0xffff  }
0x30: {  	s8 =	simm.s32 $0x20  }
0x31: {  	s5 =	simm.s32 $0x30;
	s4 =	simm.s32 $0x13880;
	v1 =	vld.idx.msk [tilespmem:v6+s2+$0x0], $0xffff;
	v4 =	vmov s8  }
.LBB2_2:
0x32: {  	p1 =	sne.s32 s5, $0x2700;
	v4 =	vshll.u32 v4, $0x3  }
0x33: {  	v3 =	vmul.u32 $0xC, v3;
	v4 =	vor.u32 v0, v4  }
0x34: {  	v2 =	vshll.u32 v2, $0x1;
	v5 =	vor.u32 $0x1, v4  }
0x35: {  	v2 =	vadd.s32 v3, v2  }
0x36: {  	s4 =	sadd.s32 $0x10, s4;
	v6 =	vor.u32 $0x2, v4;
	v1 =	vadd.s32 v1, v2  }
0x37: {  	[tilespmem:s4+$0x0] =	vst v1  }
.Ltmp0:
0x38: {  	v3 =	vld.idx.msk [tilespmem:v4+s2+$0x0], $0xffff;
	(pc) =	sbr.rel @p1 .LBB2_2-.Ltmp0, $3  }
0x39: {  	v2 =	vld.idx.msk [tilespmem:v5+s2+$0x0], $0xffff;
	_ =	sdelay $0x1  }
0x3a: {  	v1 =	vld.idx.msk [tilespmem:v6+s2+$0x0], $0xffff  }
0x3b: {  	v4 =	vmov s5;
	s5 =	sadd.s32 $0x10, s5  }
0x3c: {  	v4 =	vshll.u32 v4, $0x3  }
0x3d: {  	v3 =	vmul.u32 $0xC, v3;
	v4 =	vor.u32 v0, v4  }
0x3e: {  	v2 =	vshll.u32 v2, $0x1;
	v5 =	vor.u32 $0x1, v4  }
0x3f: {  	v2 =	vadd.s32 v3, v2  }
0x40: {  	s4 =	sadd.s32 $0x10, s4;
	v3 =	vor.u32 $0x2, v4;
	v1 =	vadd.s32 v1, v2  }
0x41: {  	[tilespmem:s4+$0x0] =	vst v1  }
0x42: {  	v1 =	vld.idx.msk [tilespmem:v4+s2+$0x0], $0xffff  }
0x43: {  	v2 =	vld.idx.msk [tilespmem:v5+s2+$0x0], $0xffff;
	_ =	sdelay $0x1  }
0x44: {  	v3 =	vld.idx.msk [tilespmem:v3+s2+$0x0], $0xffff;
	_ =	sdelay $0x1  }
0x45: {  	v1 =	vmul.u32 $0xC, v1  }
0x46: {  	v2 =	vshll.u32 v2, $0x1  }
0x47: {  	v1 =	vadd.s32 v1, v2  }
0x48: {  	s4 =	sadd.s32 $0x10, s4;
	v1 =	vadd.s32 v3, v1  }
0x49: {  	[tilespmem:s4+$0x0] =	vst v1  }
0x4a: {  	[tilespmem:s20], [sflag:$0x1] =	stream.indirect.gather [spmem:s1], $0x80, s19, s18, $0xb8;
	[tilespmem:$0x1BB90] =	vst v63  }
0x4b: {  	s7 =	simm.s32 $0x138A8  }
0x4c: {  	[tilespmem:s22], [sflag:$0x2] =	stream.indirect.gather [spmem:s1], $0x80, s7, s18, $0xb8;
	[tilespmem:$0x1BB90] =	vst v63  }
0x4d: {  	s8 =	simm.s32 $0x138D0  }
0x4e: {  	[tilespmem:s24], [sflag:$0x3] =	stream.indirect.gather [spmem:s1], $0x80, s8, s18, $0xb8;
	[tilespmem:$0x1BB90] =	vst v63  }
0x4f: {  	s5 =	simm.s32 $0x138F8  }
0x50: {  	[tilespmem:s26], [sflag:$0x4] =	stream.indirect.gather [spmem:s1], $0x80, s5, s18, $0xb8;
	[tilespmem:$0x1BB90] =	vst v63  }
0x51: {  	_ =	swait.ge [sflag:s28], $0x1400  }
0x52: {  	[sflag:s28] =	ssyncset.done $0x0  }
0x53: {  	s6 =	sadd.s32 $0x0, s15;
	[sflag:s28] =	ssyncadd.s32 $0xFFFFEC00  }
0x54: {  	[hbm4b:s6+s2] =	stream.linear.scatter [tilespmem:s20], [sflag:$0x5], $0x1400, $0x38;
	[tilespmem:$0x1BB90] =	vst v63  }
0x55: {  	_ =	swait.ge [sflag:s29], $0x1400  }
0x56: {  	[sflag:s29] =	ssyncset.done $0x0  }
0x57: {  	s7 =	sadd.s32 $0x0, s14;
	[sflag:s29] =	ssyncadd.s32 $0xFFFFEC00  }
0x58: {  	[hbm4b:s7+s2] =	stream.linear.scatter [tilespmem:s22], [sflag:$0x6], $0x1400, $0x38;
	[tilespmem:$0x1BB90] =	vst v63  }
0x59: {  	_ =	swait.ge [sflag:s30], $0x1400  }
0x5a: {  	[sflag:s30] =	ssyncset.done $0x0  }
0x5b: {  	s8 =	sadd.s32 $0x0, s13;
	[sflag:s30] =	ssyncadd.s32 $0xFFFFEC00  }
0x5c: {  	[hbm4b:s8+s2] =	stream.linear.scatter [tilespmem:s24], [sflag:$0x7], $0x1400, $0x38;
	[tilespmem:$0x1BB90] =	vst v63  }
0x5d: {  	_ =	swait.ge [sflag:s31], $0x1400  }
0x5e: {  	[sflag:s31] =	ssyncset.done $0x0  }
0x5f: {  	s5 =	sadd.s32 $0x0, s12;
	[sflag:s31] =	ssyncadd.s32 $0xFFFFEC00  }
0x60: {  	[hbm4b:s5+s2] =	stream.linear.scatter [tilespmem:s26], [sflag:$0x8], $0x1400, $0x38;
	[tilespmem:$0x1BB90] =	vst v63  }
0x61: {  	_ =	swait.ge [sflag:s0], $0x1400  }
0x62: {  	[sflag:s0] =	ssyncset.done $0x0  }
0x63: {  	s6 =	simm.s32 $0x13920;
	[sflag:s0] =	ssyncadd.s32 $0xFFFFEC00  }
0x64: {  	[tilespmem:s20], [sflag:$0x1] =	stream.indirect.gather [spmem:s1], $0x80, s6, s18, $0xb8;
	[tilespmem:$0x1BB90] =	vst v63  }
0x65: {  	_ =	swait.ge [sflag:s21], $0x1400  }
0x66: {  	[sflag:s21] =	ssyncset.done $0x0  }
0x67: {  	s7 =	simm.s32 $0x13948;
	[sflag:s21] =	ssyncadd.s32 $0xFFFFEC00  }
0x68: {  	[tilespmem:s22], [sflag:$0x2] =	stream.indirect.gather [spmem:s1], $0x80, s7, s18, $0xb8;
	[tilespmem:$0x1BB90] =	vst v63  }
0x69: {  	_ =	swait.ge [sflag:s23], $0x1400  }
0x6a: {  	[sflag:s23] =	ssyncset.done $0x0  }
0x6b: {  	s8 =	simm.s32 $0x13970;
	[sflag:s23] =	ssyncadd.s32 $0xFFFFEC00  }
0x6c: {  	[tilespmem:s24], [sflag:$0x3] =	stream.indirect.gather [spmem:s1], $0x80, s8, s18, $0xb8;
	[tilespmem:$0x1BB90] =	vst v63  }
0x6d: {  	_ =	swait.ge [sflag:s25], $0x1400  }
0x6e: {  	s4 =	simm.s32 $0x13998;
	[sflag:s25] =	ssyncset.done $0x0  }
0x6f: {  	s5 =	simm.s32 $0xA00;
	s6 =	simm.s32 $0x13A38;
	[sflag:s25] =	ssyncadd.s32 $0xFFFFEC00  }
.LBB2_4:
0x70: {  	[tilespmem:s26], [sflag:$0x4] =	stream.indirect.gather [spmem:s1], $0x80, s4, s18, $0xb8;
	[tilespmem:$0x1BB90] =	vst v63  }
0x71: {  	s7 =	smov.u32 s5;
	s4 =	smov.u32 s6  }
0x72: {  	p1 =	sne.s32 s5, $0x25800;
	s5 =	sadd.s32 $0xA00, s5;
	_ =	swait.ge [sflag:s28], $0x1400  }
0x73: {  	[sflag:s28] =	ssyncset.done $0x0  }
0x74: {  	s8 =	sadd.s32 s7, s15;
	[sflag:s28] =	ssyncadd.s32 $0xFFFFEC00  }
0x75: {  	[hbm4b:s8+s2] =	stream.linear.scatter [tilespmem:s20], [sflag:$0x5], $0x1400, $0x38;
	[tilespmem:$0x1BB90] =	vst v63  }
0x76: {  	_ =	swait.ge [sflag:s29], $0x1400  }
0x77: {  	[sflag:s29] =	ssyncset.done $0x0  }
0x78: {  	s8 =	sadd.s32 s7, s14;
	[sflag:s29] =	ssyncadd.s32 $0xFFFFEC00  }
0x79: {  	[hbm4b:s8+s2] =	stream.linear.scatter [tilespmem:s22], [sflag:$0x6], $0x1400, $0x38;
	[tilespmem:$0x1BB90] =	vst v63  }
0x7a: {  	_ =	swait.ge [sflag:s30], $0x1400  }
0x7b: {  	[sflag:s30] =	ssyncset.done $0x0  }
0x7c: {  	s8 =	sadd.s32 s7, s13;
	[sflag:s30] =	ssyncadd.s32 $0xFFFFEC00  }
0x7d: {  	[hbm4b:s8+s2] =	stream.linear.scatter [tilespmem:s24], [sflag:$0x7], $0x1400, $0x38;
	[tilespmem:$0x1BB90] =	vst v63  }
0x7e: {  	_ =	swait.ge [sflag:s31], $0x1400  }
0x7f: {  	[sflag:s31] =	ssyncset.done $0x0  }
0x80: {  	s7 =	sadd.s32 s7, s12;
	[sflag:s31] =	ssyncadd.s32 $0xFFFFEC00  }
0x81: {  	[hbm4b:s7+s2] =	stream.linear.scatter [tilespmem:s26], [sflag:$0x8], $0x1400, $0x38;
	[tilespmem:$0x1BB90] =	vst v63  }
0x82: {  	_ =	swait.ge [sflag:s0], $0x1400  }
0x83: {  	[sflag:s0] =	ssyncset.done $0x0  }
0x84: {  	s7 =	sadd.s32 $0xFFFFFF88, s6;
	[sflag:s0] =	ssyncadd.s32 $0xFFFFEC00  }
0x85: {  	[tilespmem:s20], [sflag:$0x1] =	stream.indirect.gather [spmem:s1], $0x80, s7, s18, $0xb8;
	[tilespmem:$0x1BB90] =	vst v63  }
0x86: {  	_ =	swait.ge [sflag:s21], $0x1400  }
0x87: {  	[sflag:s21] =	ssyncset.done $0x0  }
0x88: {  	s7 =	sadd.s32 $0xFFFFFFB0, s6;
	[sflag:s21] =	ssyncadd.s32 $0xFFFFEC00  }
0x89: {  	[tilespmem:s22], [sflag:$0x2] =	stream.indirect.gather [spmem:s1], $0x80, s7, s18, $0xb8;
	[tilespmem:$0x1BB90] =	vst v63  }
0x8a: {  	_ =	swait.ge [sflag:s23], $0x1400  }
0x8b: {  	[sflag:s23] =	ssyncset.done $0x0  }
.Ltmp1:
0x8c: {  	s7 =	sadd.s32 $0xFFFFFFD8, s6;
	[sflag:s23] =	ssyncadd.s32 $0xFFFFEC00;
	(pc) =	sbr.rel @p1 .LBB2_4-.Ltmp1, $4  }
0x8d: {  	[tilespmem:s24], [sflag:$0x3] =	stream.indirect.gather [spmem:s1], $0x80, s7, s18, $0xb8;
	[tilespmem:$0x1BB90] =	vst v63  }
0x8e: {  	_ =	swait.ge [sflag:s25], $0x1400  }
0x8f: {  	[sflag:s25] =	ssyncset.done $0x0  }
0x90: {  	s6 =	sadd.s32 $0xA0, s6;
	[sflag:s25] =	ssyncadd.s32 $0xFFFFEC00  }
0x91: {  	[tilespmem:s26], [sflag:$0x4] =	stream.indirect.gather [spmem:s1], $0x80, s4, s18, $0xb8;
	[tilespmem:$0x1BB90] =	vst v63  }
0x92: {  	_ =	swait.ge [sflag:s28], $0x1400  }
0x93: {  	[sflag:s28] =	ssyncset.done $0x0  }
0x94: {  	s7 =	rddreg [dreg:$0x9];
	[sflag:s28] =	ssyncadd.s32 $0xFFFFEC00  }
0x95: {  	[hbm4b:s7+s2] =	stream.linear.scatter [tilespmem:s20], [sflag:$0x5], $0x1400, $0x38;
	[tilespmem:$0x1BB90] =	vst v63  }
0x96: {  	_ =	swait.ge [sflag:s29], $0x1400  }
0x97: {  	[sflag:s29] =	ssyncset.done $0x0  }
0x98: {  	[sflag:s29] =	ssyncadd.s32 $0xFFFFEC00  }
0x99: {  	[hbm4b:s9+s2] =	stream.linear.scatter [tilespmem:s22], [sflag:$0x6], $0x1400, $0x38;
	[tilespmem:$0x1BB90] =	vst v63  }
0x9a: {  	_ =	swait.ge [sflag:s30], $0x1400  }
0x9b: {  	[sflag:s30] =	ssyncset.done $0x0  }
0x9c: {  	[sflag:s30] =	ssyncadd.s32 $0xFFFFEC00  }
0x9d: {  	[hbm4b:s10+s2] =	stream.linear.scatter [tilespmem:s24], [sflag:$0x7], $0x1400, $0x38;
	[tilespmem:$0x1BB90] =	vst v63  }
0x9e: {  	_ =	swait.ge [sflag:s31], $0x1400  }
0x9f: {  	[sflag:s31] =	ssyncset.done $0x0  }
0xa0: {  	[sflag:s31] =	ssyncadd.s32 $0xFFFFEC00  }
0xa1: {  	[hbm4b:s11+s2] =	stream.linear.scatter [tilespmem:s26], [sflag:$0x8], $0x1400, $0x38;
	[tilespmem:$0x1BB90] =	vst v63  }
0xa2: {  	_ =	swait.ge [sflag:s0], $0x1400  }
0xa3: {  	[sflag:s0] =	ssyncset.done $0x0  }
0xa4: {  	s8 =	simm.s32 $0x15F40;
	[sflag:s0] =	ssyncadd.s32 $0xFFFFEC00  }
0xa5: {  	[tilespmem:s20], [sflag:$0x1] =	stream.indirect.gather [spmem:s1], $0x80, s8, s18, $0xb8;
	[tilespmem:$0x1BB90] =	vst v63  }
0xa6: {  	_ =	swait.ge [sflag:s21], $0x1400  }
0xa7: {  	[sflag:s21] =	ssyncset.done $0x0  }
0xa8: {  	s5 =	simm.s32 $0x15F68;
	[sflag:s21] =	ssyncadd.s32 $0xFFFFEC00  }
0xa9: {  	[tilespmem:s22], [sflag:$0x2] =	stream.indirect.gather [spmem:s1], $0x80, s5, s18, $0xb8;
	[tilespmem:$0x1BB90] =	vst v63  }
0xaa: {  	_ =	swait.ge [sflag:s23], $0x1400  }
0xab: {  	[sflag:s23] =	ssyncset.done $0x0  }
0xac: {  	[sflag:s23] =	ssyncadd.s32 $0xFFFFEC00  }
0xad: {  	_ =	swait.ge [sflag:s25], $0x1400  }
0xae: {  	[sflag:s25] =	ssyncset.done $0x0  }
0xaf: {  	[sflag:s25] =	ssyncadd.s32 $0xFFFFEC00  }
0xb0: {  	_ =	swait.ge [sflag:s28], $0x1400  }
0xb1: {  	[sflag:s28] =	ssyncset.done $0x0  }
0xb2: {  	s6 =	rddreg [dreg:$0x6];
	[sflag:s28] =	ssyncadd.s32 $0xFFFFEC00  }
0xb3: {  	[hbm4b:s6+s2] =	stream.linear.scatter [tilespmem:s20], [sflag:$0x5], $0x1400, $0x38;
	[tilespmem:$0x1BB90] =	vst v63  }
0xb4: {  	_ =	swait.ge [sflag:s0], $0x1400  }
0xb5: {  	[sflag:s0] =	ssyncset.done $0x0  }
0xb6: {  	[sflag:s0] =	ssyncadd.s32 $0xFFFFEC00  }
0xb7: {  	_ =	swait.ge [sflag:s29], $0x1400  }
0xb8: {  	[sflag:s29] =	ssyncset.done $0x0  }
0xb9: {  	s7 =	rddreg [dreg:$0x7];
	[sflag:s29] =	ssyncadd.s32 $0xFFFFEC00  }
0xba: {  	[hbm4b:s7+s2] =	stream.linear.scatter [tilespmem:s22], [sflag:$0x6], $0x1400, $0x38;
	[tilespmem:$0x1BB90] =	vst v63  }
0xbb: {  	_ =	swait.ge [sflag:s21], $0x1400  }
0xbc: {  	s3 =	sadd.s32 $0x1, s3;
	s8 =	rddreg [dreg:$0x8]  }
0xbd: {  	p1 =	sne.s32 s3, s8  }
.Ltmp2:
0xbe: {  	_ = 	snop;
	(pc) =	sbr.rel @p1 .LBB2_1-.Ltmp2, $3  }
0xbf: {  	_ =	sdelay $0x1  }
0xc0: {  	[sflag:s21] =	ssyncset.done $0x0  }
0xc1: {  	[sflag:s21] =	ssyncadd.s32 $0xFFFFEC00  }
0xc2: {  	_ =	sfence.sel $0x180000  }
0xc3: {  	[bflag:$0x0] =	sbarrier.arrive $0xFFFF  }
0xc4: {  	_ =	strace $0x90000047  }
0xc5: {  	[bflag:$0x2] =	sbarrier.arrive $0xFFFF  }
0xc6: {  	s0 =	rddreg [dreg:$0x3]  }
0xc7: {  	s0 =	sadd.s32 @!p0 $0x100000, s0  }
0xc8: {  	[sflag:s0] =	ssyncadd.tile.s32 @!p0 $0x1;
	_ =	shalt  }
.Lfunc_end2:
_tile_overlayer_lowered:
.L_overlay_start_2:
0xc9: {  	(tag) =	ssettag $0x2  }
0xca: {  	s0 =	rddreg [dreg:$0x0];
	s2 =	stileid.u32  }
0xcb: {  	s1 =	rddreg [dreg:$0x1];
	p0 =	sne.s32 s2, $0x0  }
0xcc: {  	s3 =	rddreg [dreg:$0x2];
	[bflag:$0x3] =	sbarrier.arrive $0xFFFF;
	s2 =	simm.s32 @!p0 $0x1C09  }
0xcd: {  	[timem:s3], [sflag:s2] =	dma.local @!p0 [hbm:s0], s1  }
0xce: {  	s0 =	simm.s32 @!p0 $0x9  }
0xcf: {  	_ =	swait.ge @!p0 [sflag:s0], s1  }
0xd0: {  	s1 =	ssub.s32 @!p0 $0x0, s1;
	[sflag:s0] =	ssyncset.done @!p0 $0x0  }
0xd1: {  	[sflag:s0] =	ssyncadd.s32 @!p0 s1  }
0xd2: {  	[bflag:$0x3] =	sbarrier.arrive $0xFFFF  }
0xd3: {  	_ =	shalt  }

</sc_bundles>
